<compile_context>
chip_gen: v7x
topology: tpu7x:2x2x1
jax: 0.10.2.dev20260603
libtpu: 0.0.44.dev20260713+nightly
codegen_flags: <defaults>
</compile_context>

<pallas_src>
import functools

import jax
import jax.numpy as jnp
from jax import lax
from jax.experimental import pallas as pl
from jax.experimental.pallas import tpu as pltpu
from jax.experimental.pallas import tpu_sc as plsc

N = 8192
L = 8
D_IN = 896
D_HID = 1536
D_OUT = 768

BLK = 256
NB = N // BLK + L
NPAD = NB * BLK

NC = 2
NS = 16
NW = NC * NS
TOK_W = N // NW
SCAT_CHUNK = 64
GATH_CHUNK = 64

_mesh = plsc.VectorSubcoreMesh(core_axis_name="c", subcore_axis_name="s")


_NCH_S = TOK_W // SCAT_CHUNK
_NCH_G = TOK_W // GATH_CHUNK


@functools.partial(
    pl.kernel,
    mesh=_mesh,
    out_type=jax.ShapeDtypeStruct((NPAD, D_IN), jnp.float32),
    scratch_types=[
        pltpu.VMEM((SCAT_CHUNK,), jnp.int32),
        pltpu.VMEM((SCAT_CHUNK,), jnp.int32),
        pltpu.VMEM((SCAT_CHUNK, D_IN), jnp.float32),
        pltpu.VMEM((SCAT_CHUNK, D_IN), jnp.float32),
        pltpu.SemaphoreType.DMA,
        pltpu.SemaphoreType.DMA,
        pltpu.SemaphoreType.DMA,
        pltpu.SemaphoreType.DMA,
    ],
)
def _sc_scatter(x_hbm, dest_hbm, xpad_hbm, idx0, idx1, rows0, rows1,
                ls0, ls1, ss0, ss1):
    wid = lax.axis_index("s") * NC + lax.axis_index("c")
    base = wid * TOK_W
    idxs, rows = (idx0, idx1), (rows0, rows1)
    lsems, ssems = (ls0, ls1), (ss0, ss1)

    def loads(i):
        off = base + i * SCAT_CHUNK
        a = pltpu.async_copy(dest_hbm.at[pl.ds(off, SCAT_CHUNK)],
                             idxs[i % 2], lsems[i % 2])
        b = pltpu.async_copy(x_hbm.at[pl.ds(off, SCAT_CHUNK)],
                             rows[i % 2], lsems[i % 2])
        return a, b

    pend_l = {0: loads(0)}
    pend_s = {}
    for i in range(_NCH_S):
        if i >= 1:
            pend_s.pop(i - 1).wait()
        if i + 1 < _NCH_S:
            pend_l[i + 1] = loads(i + 1)
        la, lb = pend_l.pop(i)
        la.wait()
        lb.wait()
        pend_s[i] = pltpu.async_copy(rows[i % 2], xpad_hbm.at[idxs[i % 2]],
                                     ssems[i % 2])
    pend_s.pop(_NCH_S - 1).wait()


@functools.partial(
    pl.kernel,
    mesh=_mesh,
    out_type=jax.ShapeDtypeStruct((N, D_OUT), jnp.float32),
    scratch_types=[
        pltpu.VMEM((GATH_CHUNK,), jnp.int32),
        pltpu.VMEM((GATH_CHUNK,), jnp.int32),
        pltpu.VMEM((GATH_CHUNK, D_OUT), jnp.float32),
        pltpu.VMEM((GATH_CHUNK, D_OUT), jnp.float32),
        pltpu.SemaphoreType.DMA,
        pltpu.SemaphoreType.DMA,
        pltpu.SemaphoreType.DMA,
        pltpu.SemaphoreType.DMA,
        pltpu.SemaphoreType.DMA,
        pltpu.SemaphoreType.DMA,
    ],
)
def _sc_gather(ypad_hbm, dest_hbm, out_hbm, idx0, idx1, rows0, rows1,
               ls0, ls1, gs0, gs1, ss0, ss1):
    wid = lax.axis_index("s") * NC + lax.axis_index("c")
    base = wid * TOK_W
    idxs, rows = (idx0, idx1), (rows0, rows1)
    lsems, gsems, ssems = (ls0, ls1), (gs0, gs1), (ss0, ss1)

    def idx_load(i):
        off = base + i * GATH_CHUNK
        return pltpu.async_copy(dest_hbm.at[pl.ds(off, GATH_CHUNK)],
                                idxs[i % 2], lsems[i % 2])

    pend_idx = {0: idx_load(0)}
    pend_g = {}
    pend_st = {}
    for i in range(_NCH_G):
        if i >= 1:
            pend_g.pop(i - 1).wait()
            off_p = base + (i - 1) * GATH_CHUNK
            pend_st[i - 1] = pltpu.async_copy(
                rows[(i - 1) % 2], out_hbm.at[pl.ds(off_p, GATH_CHUNK)],
                ssems[(i - 1) % 2])
        if i + 1 < _NCH_G:
            pend_idx[i + 1] = idx_load(i + 1)
        if i >= 2:
            pend_st.pop(i - 2).wait()
        pend_idx.pop(i).wait()
        pend_g[i] = pltpu.async_copy(ypad_hbm.at[idxs[i % 2]], rows[i % 2],
                                     gsems[i % 2])
    last = _NCH_G - 1
    pend_g.pop(last).wait()
    off_l = base + last * GATH_CHUNK
    pend_st[last] = pltpu.async_copy(rows[last % 2],
                                     out_hbm.at[pl.ds(off_l, GATH_CHUNK)],
                                     ssems[last % 2])
    for k in list(pend_st):
        pend_st.pop(k).wait()


_O_FIRST = NB + 1
_O_PAR = 2 * NB + 1
_O_NXT = 3 * NB + 1


def _mlp_body(bp_ref, x_ref, w1_hbm, b1_ref, w2_hbm, b2_ref, o_ref,
              w1buf, w2buf, w1bf, w2bf, sems):
    b = pl.program_id(0)
    nact = bp_ref[NB]
    first = bp_ref[_O_FIRST + b]
    cur = bp_ref[_O_PAR + b]
    nxt = bp_ref[_O_NXT + b]

    def w_copies(plane, slot):
        c1 = pltpu.make_async_copy(w1_hbm.at[plane], w1buf.at[slot],
                                   sems.at[slot])
        c2 = pltpu.make_async_copy(w2_hbm.at[plane], w2buf.at[slot],
                                   sems.at[slot])
        return c1, c2

    @pl.when(b == 0)
    def _():
        c1, c2 = w_copies(bp_ref[0], 0)
        c1.start()
        c2.start()

    @pl.when(first == 1)
    def _():
        c1, c2 = w_copies(bp_ref[b], cur)
        c1.wait()
        c2.wait()

        @pl.when(nxt >= 0)
        def _():
            n1, n2 = w_copies(nxt, 1 - cur)
            n1.start()
            n2.start()

        w1bf[...] = w1buf[cur].astype(jnp.bfloat16)
        w2bf[...] = w2buf[cur].astype(jnp.bfloat16)

    @pl.when(b < nact)
    def _():
        x = x_ref[...].astype(jnp.bfloat16)
        h = lax.dot_general(x, w1bf[...], (((1,), (1,)), ((), ())),
                            preferred_element_type=jnp.float32)
        h = h + b1_ref[0]
        h = 0.5 * h * (1.0 + lax.erf(h * (2.0 ** -0.5)))
        o = lax.dot_general(h.astype(jnp.bfloat16), w2bf[...],
                            (((1,), (1,)), ((), ())),
                            preferred_element_type=jnp.float32)
        o_ref[...] = o + b2_ref[0]


_mlp_call = pl.pallas_call(
    _mlp_body,
    grid_spec=pltpu.PrefetchScalarGridSpec(
        num_scalar_prefetch=1,
        grid=(NB,),
        in_specs=[
            pl.BlockSpec((BLK, D_IN),
                         lambda b, bp: (jnp.minimum(b, bp[NB] - 1), 0)),
            pl.BlockSpec(memory_space=pltpu.MemorySpace.HBM),
            pl.BlockSpec((1, 1, D_HID), lambda b, bp: (bp[b], 0, 0)),
            pl.BlockSpec(memory_space=pltpu.MemorySpace.HBM),
            pl.BlockSpec((1, 1, D_OUT), lambda b, bp: (bp[b], 0, 0)),
        ],
        out_specs=pl.BlockSpec(
            (BLK, D_OUT),
            lambda b, bp: (jnp.where(b < bp[NB], b, NB), 0)),
        scratch_shapes=[
            pltpu.VMEM((2, D_HID, D_IN), jnp.float32),
            pltpu.VMEM((2, D_OUT, D_HID), jnp.float32),
            pltpu.VMEM((D_HID, D_IN), jnp.bfloat16),
            pltpu.VMEM((D_OUT, D_HID), jnp.bfloat16),
            pltpu.SemaphoreType.DMA((2,)),
        ],
    ),
    out_shape=jax.ShapeDtypeStruct((NPAD + BLK, D_OUT), jnp.float32),
)


def kernel(x, plane_idx, W1, b1, W2, b2):
    pid = plane_idx.astype(jnp.int32)

    onehot = (pid[:, None] == jnp.arange(L, dtype=jnp.int32)).astype(jnp.int32)
    csum = jnp.cumsum(onehot, axis=0)
    cnt = csum[-1]
    nblk_p = (cnt + BLK - 1) // BLK
    blk_start = jnp.concatenate(
        [jnp.zeros((1,), jnp.int32), jnp.cumsum(nblk_p)[:-1].astype(jnp.int32)])
    dest = jnp.sum(onehot * (blk_start[None, :] * BLK + csum - 1),
                   axis=1).astype(jnp.int32)
    nact = jnp.sum(nblk_p).astype(jnp.int32)

    barange = jnp.arange(NB, dtype=jnp.int32)
    blk_end = (blk_start + nblk_p).astype(jnp.int32)
    blk_plane = jnp.sum((barange[:, None] >= blk_end[None, :]).astype(jnp.int32),
                        axis=1)
    last_plane = jnp.max(jnp.where(cnt > 0, jnp.arange(L, dtype=jnp.int32), 0))
    blk_plane = jnp.where(barange < nact, blk_plane, last_plane).astype(jnp.int32)

    prev_plane = jnp.concatenate([jnp.full((1,), -1, jnp.int32), blk_plane[:-1]])
    first = ((blk_plane != prev_plane) & (barange < nact)).astype(jnp.int32)
    run_idx = jnp.cumsum(first) - 1
    parity = (run_idx % 2).astype(jnp.int32)
    planes = jnp.arange(L, dtype=jnp.int32)
    later = (planes[None, :] > blk_plane[:, None]) & (cnt[None, :] > 0)
    nxt = jnp.min(jnp.where(later, planes[None, :], L), axis=1).astype(jnp.int32)
    nxt = jnp.where(nxt >= L, -1, nxt)

    bp_arr = jnp.concatenate([blk_plane, nact[None], first, parity, nxt])

    x_pad = _sc_scatter(x, dest)
    y_pad = _mlp_call(bp_arr, x_pad, W1,
                      b1.reshape(L, 1, D_HID), W2, b2.reshape(L, 1, D_OUT))
    out = _sc_gather(y_pad, dest)
    return out

# --- scband reference (transcript-rebuilt; emitter-appended) ---
"""Pipeline reference for scband-graph-walker-memory-64828236366326 (READ-ONLY COPY).

The authoritative reference and input builder live on the scoring server;
editing this copy changes nothing except your own understanding.
"""

import jax, jax.numpy as jnp
import numpy as np

L = 8
N = 8192
D_IN = 896
D_HID = 1536
D_OUT = 768


def setup_inputs(seed: int = 0) -> dict:
    key = jax.random.key(seed)
    ks = jax.random.split(key, 6)
    x = jax.random.normal(ks[0], (N, D_IN), dtype=jnp.float32)
    plane_idx = jax.random.randint(ks[1], (N,), 0, L)
    # learned per-plane expert parameters, init matching PerPlaneMLP
    W1 = jax.random.normal(ks[2], (L, D_HID, D_IN), dtype=jnp.float32) * 0.014
    b1 = jnp.zeros((L, D_HID), dtype=jnp.float32)
    W2 = jax.random.normal(ks[3], (L, D_OUT, D_HID), dtype=jnp.float32) * ((2.0 / D_HID) ** 0.5)
    b2 = jnp.zeros((L, D_OUT), dtype=jnp.float32)
    return {"x": x, "plane_idx": plane_idx, "W1": W1, "b1": b1, "W2": W2, "b2": b2}


def reference(x, plane_idx, W1, b1, W2, b2):
    # Faithful translation of PerPlaneMLP.forward: hard top-1 routing of
    # walkers to per-plane expert FFNs, segment-matmul per plane, scatter
    # results back into original walker order.
    n_planes = W1.shape[0]
    out = jnp.zeros((x.shape[0], W2.shape[1]), dtype=x.dtype)
    for p in range(n_planes):
        mask = (plane_idx == p)[:, None]
        h_p = x @ W1[p].T + b1[p]
        h_p = jax.nn.gelu(h_p, approximate=False)
        o_p = h_p @ W2[p].T + b2[p]
        out = jnp.where(mask, o_p, out)
    return out

if __name__ == "__main__":
    import jax
    _d = setup_inputs()
    print(jax.jit(kernel)(*tuple(_d.values())))

</pallas_src>

<mosaic_0001>
#map = affine_map<(d0, d1) -> (0, 0)>
#map1 = affine_map<(d0, d1) -> (0)>
module attributes {stable_mosaic.version = 14 : i64} {
  func.func @_sc_gather(%arg0: i32, %arg1: i32, %arg2: memref<10496x768xf32, #tpu.memory_space<hbm>>, %arg3: memref<8192xi32, #tpu.memory_space<hbm>>, %arg4: memref<8192x768xf32, #tpu.memory_space<hbm>>, %arg5: memref<64xi32, #tpu.memory_space<vmem>>, %arg6: memref<64xi32, #tpu.memory_space<vmem>>, %arg7: memref<64x768xf32, #tpu.memory_space<vmem>>, %arg8: memref<64x768xf32, #tpu.memory_space<vmem>>, %arg9: memref<!tpu.dma_semaphore, #tpu.memory_space<semaphore_mem>>, %arg10: memref<!tpu.dma_semaphore, #tpu.memory_space<semaphore_mem>>, %arg11: memref<!tpu.dma_semaphore, #tpu.memory_space<semaphore_mem>>, %arg12: memref<!tpu.dma_semaphore, #tpu.memory_space<semaphore_mem>>, %arg13: memref<!tpu.dma_semaphore, #tpu.memory_space<semaphore_mem>>, %arg14: memref<!tpu.dma_semaphore, #tpu.memory_space<semaphore_mem>>) attributes {dimension_semantics = [#tpu.dimension_semantics<core_parallel>, #tpu.dimension_semantics<subcore_parallel>], iteration_bounds = array<i64: 2, 16>, scalar_prefetch = 0 : i64, scratch_operands = 10 : i64, tpu.core_type = #tpu.core_type<sc_vector_subcore>, window_params = [{transform_indices = #map}, {transform_indices = #map1}, {transform_indices = #map}]} {
    %mul3A = arith.constant 2 : i32
    %mul3A_0 = arith.muli %arg1, %mul3A : i32
    %add3A = arith.addi %mul3A_0, %arg0 : i32
    %mul3A_1 = arith.constant 256 : i32
    %mul3A_2 = arith.muli %add3A, %mul3A_1 : i32
    %add3A_3 = arith.constant 0 : i32
    %add3A_4 = arith.addi %mul3A_2, %add3A_3 : i32
    %dma_start3A = tpu.memref_slice %arg3[%add3A_4] : memref<8192xi32, #tpu.memory_space<hbm>> -> memref<64xi32, #tpu.memory_space<hbm>>
    %dma_start3A_5 = tpu.memref_slice %arg3[%add3A_4] : memref<8192xi32, #tpu.memory_space<hbm>> -> memref<64xi32, #tpu.memory_space<hbm>>
    tpu.enqueue_dma source(%dma_start3A_5 : memref<64xi32, #tpu.memory_space<hbm>>) target(%arg5 : memref<64xi32, #tpu.memory_space<vmem>>) target_semaphore(%arg9 : memref<!tpu.dma_semaphore, #tpu.memory_space<semaphore_mem>>)
    %add3A_6 = arith.constant 64 : i32
    %add3A_7 = arith.addi %mul3A_2, %add3A_6 : i32
    %dma_start3A_8 = tpu.memref_slice %arg3[%add3A_7] : memref<8192xi32, #tpu.memory_space<hbm>> -> memref<64xi32, #tpu.memory_space<hbm>>
    %dma_start3A_9 = tpu.memref_slice %arg3[%add3A_7] : memref<8192xi32, #tpu.memory_space<hbm>> -> memref<64xi32, #tpu.memory_space<hbm>>
    tpu.enqueue_dma source(%dma_start3A_9 : memref<64xi32, #tpu.memory_space<hbm>>) target(%arg6 : memref<64xi32, #tpu.memory_space<vmem>>) target_semaphore(%arg10 : memref<!tpu.dma_semaphore, #tpu.memory_space<semaphore_mem>>)
    %dma_wait3A = tpu.memref_slice %arg3[%add3A_4] : memref<8192xi32, #tpu.memory_space<hbm>> -> memref<64xi32, #tpu.memory_space<hbm>>
    %dma_wait3A_10 = tpu.memref_slice %arg3[%add3A_4] : memref<8192xi32, #tpu.memory_space<hbm>> -> memref<64xi32, #tpu.memory_space<hbm>>
    tpu.wait_dma2 semaphore(%arg9 : memref<!tpu.dma_semaphore, #tpu.memory_space<semaphore_mem>>) src(%dma_wait3A_10 : memref<64xi32, #tpu.memory_space<hbm>>) dst(%arg5 : memref<64xi32, #tpu.memory_space<vmem>>)
    %dma_start3A_11 = arith.constant 0 : i32
    %dma_start3A_12 = arith.constant 0 : i32
    %dma_start3A_13 = tpu.memref_slice %arg2[%dma_start3A_11, %dma_start3A_12] : memref<10496x768xf32, #tpu.memory_space<hbm>> -> memref<10496x768xf32, #tpu.memory_space<hbm>>
    tpu.enqueue_indirect_dma source(%dma_start3A_13 : memref<10496x768xf32, #tpu.memory_space<hbm>>) target(%arg7 : memref<64x768xf32, #tpu.memory_space<vmem>>) offsets(%arg5 : memref<64xi32, #tpu.memory_space<vmem>>) semaphore(%arg11 : memref<!tpu.dma_semaphore, #tpu.memory_space<semaphore_mem>>)
    %dma_wait3A_14 = arith.constant 0 : i32
    %dma_wait3A_15 = arith.constant 0 : i32
    %dma_wait3A_16 = tpu.memref_slice %arg2[%dma_wait3A_14, %dma_wait3A_15] : memref<10496x768xf32, #tpu.memory_space<hbm>> -> memref<10496x768xf32, #tpu.memory_space<hbm>>
    tpu.wait_indirect_dma semaphore(%arg11 : memref<!tpu.dma_semaphore, #tpu.memory_space<semaphore_mem>>) src(%dma_wait3A_16 : memref<10496x768xf32, #tpu.memory_space<hbm>>) dst(%arg7 : memref<64x768xf32, #tpu.memory_space<vmem>>)
    %add3A_17 = arith.constant 0 : i32
    %add3A_18 = arith.addi %mul3A_2, %add3A_17 : i32
    %dma_start3A_19 = arith.constant 0 : i32
    %dma_start3A_20 = tpu.memref_slice %arg4[%add3A_18, %dma_start3A_19] : memref<8192x768xf32, #tpu.memory_space<hbm>> -> memref<64x768xf32, #tpu.memory_space<hbm>>
    %dma_start3A_21 = arith.constant 0 : i32
    %dma_start3A_22 = tpu.memref_slice %arg4[%add3A_18, %dma_start3A_21] : memref<8192x768xf32, #tpu.memory_space<hbm>> -> memref<64x768xf32, #tpu.memory_space<hbm>>
    tpu.enqueue_dma source(%arg7 : memref<64x768xf32, #tpu.memory_space<vmem>>) target(%dma_start3A_22 : memref<64x768xf32, #tpu.memory_space<hbm>>) target_semaphore(%arg13 : memref<!tpu.dma_semaphore, #tpu.memory_space<semaphore_mem>>)
    %add3A_23 = arith.constant 128 : i32
    %add3A_24 = arith.addi %mul3A_2, %add3A_23 : i32
    %dma_start3A_25 = tpu.memref_slice %arg3[%add3A_24] : memref<8192xi32, #tpu.memory_space<hbm>> -> memref<64xi32, #tpu.memory_space<hbm>>
    %dma_start3A_26 = tpu.memref_slice %arg3[%add3A_24] : memref<8192xi32, #tpu.memory_space<hbm>> -> memref<64xi32, #tpu.memory_space<hbm>>
    tpu.enqueue_dma source(%dma_start3A_26 : memref<64xi32, #tpu.memory_space<hbm>>) target(%arg5 : memref<64xi32, #tpu.memory_space<vmem>>) target_semaphore(%arg9 : memref<!tpu.dma_semaphore, #tpu.memory_space<semaphore_mem>>)
    %dma_wait3A_27 = tpu.memref_slice %arg3[%add3A_7] : memref<8192xi32, #tpu.memory_space<hbm>> -> memref<64xi32, #tpu.memory_space<hbm>>
    %dma_wait3A_28 = tpu.memref_slice %arg3[%add3A_7] : memref<8192xi32, #tpu.memory_space<hbm>> -> memref<64xi32, #tpu.memory_space<hbm>>
    tpu.wait_dma2 semaphore(%arg10 : memref<!tpu.dma_semaphore, #tpu.memory_space<semaphore_mem>>) src(%dma_wait3A_28 : memref<64xi32, #tpu.memory_space<hbm>>) dst(%arg6 : memref<64xi32, #tpu.memory_space<vmem>>)
    %dma_start3A_29 = arith.constant 0 : i32
    %dma_start3A_30 = arith.constant 0 : i32
    %dma_start3A_31 = tpu.memref_slice %arg2[%dma_start3A_29, %dma_start3A_30] : memref<10496x768xf32, #tpu.memory_space<hbm>> -> memref<10496x768xf32, #tpu.memory_space<hbm>>
    tpu.enqueue_indirect_dma source(%dma_start3A_31 : memref<10496x768xf32, #tpu.memory_space<hbm>>) target(%arg8 : memref<64x768xf32, #tpu.memory_space<vmem>>) offsets(%arg6 : memref<64xi32, #tpu.memory_space<vmem>>) semaphore(%arg12 : memref<!tpu.dma_semaphore, #tpu.memory_space<semaphore_mem>>)
    %dma_wait3A_32 = arith.constant 0 : i32
    %dma_wait3A_33 = arith.constant 0 : i32
    %dma_wait3A_34 = tpu.memref_slice %arg2[%dma_wait3A_32, %dma_wait3A_33] : memref<10496x768xf32, #tpu.memory_space<hbm>> -> memref<10496x768xf32, #tpu.memory_space<hbm>>
    tpu.wait_indirect_dma semaphore(%arg12 : memref<!tpu.dma_semaphore, #tpu.memory_space<semaphore_mem>>) src(%dma_wait3A_34 : memref<10496x768xf32, #tpu.memory_space<hbm>>) dst(%arg8 : memref<64x768xf32, #tpu.memory_space<vmem>>)
    %add3A_35 = arith.constant 64 : i32
    %add3A_36 = arith.addi %mul3A_2, %add3A_35 : i32
    %dma_start3A_37 = arith.constant 0 : i32
    %dma_start3A_38 = tpu.memref_slice %arg4[%add3A_36, %dma_start3A_37] : memref<8192x768xf32, #tpu.memory_space<hbm>> -> memref<64x768xf32, #tpu.memory_space<hbm>>
    %dma_start3A_39 = arith.constant 0 : i32
    %dma_start3A_40 = tpu.memref_slice %arg4[%add3A_36, %dma_start3A_39] : memref<8192x768xf32, #tpu.memory_space<hbm>> -> memref<64x768xf32, #tpu.memory_space<hbm>>
    tpu.enqueue_dma source(%arg8 : memref<64x768xf32, #tpu.memory_space<vmem>>) target(%dma_start3A_40 : memref<64x768xf32, #tpu.memory_space<hbm>>) target_semaphore(%arg14 : memref<!tpu.dma_semaphore, #tpu.memory_space<semaphore_mem>>)
    %add3A_41 = arith.constant 192 : i32
    %add3A_42 = arith.addi %mul3A_2, %add3A_41 : i32
    %dma_start3A_43 = tpu.memref_slice %arg3[%add3A_42] : memref<8192xi32, #tpu.memory_space<hbm>> -> memref<64xi32, #tpu.memory_space<hbm>>
    %dma_start3A_44 = tpu.memref_slice %arg3[%add3A_42] : memref<8192xi32, #tpu.memory_space<hbm>> -> memref<64xi32, #tpu.memory_space<hbm>>
    tpu.enqueue_dma source(%dma_start3A_44 : memref<64xi32, #tpu.memory_space<hbm>>) target(%arg6 : memref<64xi32, #tpu.memory_space<vmem>>) target_semaphore(%arg10 : memref<!tpu.dma_semaphore, #tpu.memory_space<semaphore_mem>>)
    %dma_wait3A_45 = arith.constant 0 : i32
    %dma_wait3A_46 = tpu.memref_slice %arg4[%add3A_18, %dma_wait3A_45] : memref<8192x768xf32, #tpu.memory_space<hbm>> -> memref<64x768xf32, #tpu.memory_space<hbm>>
    %dma_wait3A_47 = arith.constant 0 : i32
    %dma_wait3A_48 = tpu.memref_slice %arg4[%add3A_18, %dma_wait3A_47] : memref<8192x768xf32, #tpu.memory_space<hbm>> -> memref<64x768xf32, #tpu.memory_space<hbm>>
    tpu.wait_dma2 semaphore(%arg13 : memref<!tpu.dma_semaphore, #tpu.memory_space<semaphore_mem>>) src(%arg7 : memref<64x768xf32, #tpu.memory_space<vmem>>) dst(%dma_wait3A_48 : memref<64x768xf32, #tpu.memory_space<hbm>>)
    %dma_wait3A_49 = tpu.memref_slice %arg3[%add3A_24] : memref<8192xi32, #tpu.memory_space<hbm>> -> memref<64xi32, #tpu.memory_space<hbm>>
    %dma_wait3A_50 = tpu.memref_slice %arg3[%add3A_24] : memref<8192xi32, #tpu.memory_space<hbm>> -> memref<64xi32, #tpu.memory_space<hbm>>
    tpu.wait_dma2 semaphore(%arg9 : memref<!tpu.dma_semaphore, #tpu.memory_space<semaphore_mem>>) src(%dma_wait3A_50 : memref<64xi32, #tpu.memory_space<hbm>>) dst(%arg5 : memref<64xi32, #tpu.memory_space<vmem>>)
    %dma_start3A_51 = arith.constant 0 : i32
    %dma_start3A_52 = arith.constant 0 : i32
    %dma_start3A_53 = tpu.memref_slice %arg2[%dma_start3A_51, %dma_start3A_52] : memref<10496x768xf32, #tpu.memory_space<hbm>> -> memref<10496x768xf32, #tpu.memory_space<hbm>>
    tpu.enqueue_indirect_dma source(%dma_start3A_53 : memref<10496x768xf32, #tpu.memory_space<hbm>>) target(%arg7 : memref<64x768xf32, #tpu.memory_space<vmem>>) offsets(%arg5 : memref<64xi32, #tpu.memory_space<vmem>>) semaphore(%arg11 : memref<!tpu.dma_semaphore, #tpu.memory_space<semaphore_mem>>)
    %dma_wait3A_54 = arith.constant 0 : i32
    %dma_wait3A_55 = arith.constant 0 : i32
    %dma_wait3A_56 = tpu.memref_slice %arg2[%dma_wait3A_54, %dma_wait3A_55] : memref<10496x768xf32, #tpu.memory_space<hbm>> -> memref<10496x768xf32, #tpu.memory_space<hbm>>
    tpu.wait_indirect_dma semaphore(%arg11 : memref<!tpu.dma_semaphore, #tpu.memory_space<semaphore_mem>>) src(%dma_wait3A_56 : memref<10496x768xf32, #tpu.memory_space<hbm>>) dst(%arg7 : memref<64x768xf32, #tpu.memory_space<vmem>>)
    %add3A_57 = arith.constant 128 : i32
    %add3A_58 = arith.addi %mul3A_2, %add3A_57 : i32
    %dma_start3A_59 = arith.constant 0 : i32
    %dma_start3A_60 = tpu.memref_slice %arg4[%add3A_58, %dma_start3A_59] : memref<8192x768xf32, #tpu.memory_space<hbm>> -> memref<64x768xf32, #tpu.memory_space<hbm>>
    %dma_start3A_61 = arith.constant 0 : i32
    %dma_start3A_62 = tpu.memref_slice %arg4[%add3A_58, %dma_start3A_61] : memref<8192x768xf32, #tpu.memory_space<hbm>> -> memref<64x768xf32, #tpu.memory_space<hbm>>
    tpu.enqueue_dma source(%arg7 : memref<64x768xf32, #tpu.memory_space<vmem>>) target(%dma_start3A_62 : memref<64x768xf32, #tpu.memory_space<hbm>>) target_semaphore(%arg13 : memref<!tpu.dma_semaphore, #tpu.memory_space<semaphore_mem>>)
    %dma_wait3A_63 = arith.constant 0 : i32
    %dma_wait3A_64 = tpu.memref_slice %arg4[%add3A_36, %dma_wait3A_63] : memref<8192x768xf32, #tpu.memory_space<hbm>> -> memref<64x768xf32, #tpu.memory_space<hbm>>
    %dma_wait3A_65 = arith.constant 0 : i32
    %dma_wait3A_66 = tpu.memref_slice %arg4[%add3A_36, %dma_wait3A_65] : memref<8192x768xf32, #tpu.memory_space<hbm>> -> memref<64x768xf32, #tpu.memory_space<hbm>>
    tpu.wait_dma2 semaphore(%arg14 : memref<!tpu.dma_semaphore, #tpu.memory_space<semaphore_mem>>) src(%arg8 : memref<64x768xf32, #tpu.memory_space<vmem>>) dst(%dma_wait3A_66 : memref<64x768xf32, #tpu.memory_space<hbm>>)
    %dma_wait3A_67 = tpu.memref_slice %arg3[%add3A_42] : memref<8192xi32, #tpu.memory_space<hbm>> -> memref<64xi32, #tpu.memory_space<hbm>>
    %dma_wait3A_68 = tpu.memref_slice %arg3[%add3A_42] : memref<8192xi32, #tpu.memory_space<hbm>> -> memref<64xi32, #tpu.memory_space<hbm>>
    tpu.wait_dma2 semaphore(%arg10 : memref<!tpu.dma_semaphore, #tpu.memory_space<semaphore_mem>>) src(%dma_wait3A_68 : memref<64xi32, #tpu.memory_space<hbm>>) dst(%arg6 : memref<64xi32, #tpu.memory_space<vmem>>)
    %dma_start3A_69 = arith.constant 0 : i32
    %dma_start3A_70 = arith.constant 0 : i32
    %dma_start3A_71 = tpu.memref_slice %arg2[%dma_start3A_69, %dma_start3A_70] : memref<10496x768xf32, #tpu.memory_space<hbm>> -> memref<10496x768xf32, #tpu.memory_space<hbm>>
    tpu.enqueue_indirect_dma source(%dma_start3A_71 : memref<10496x768xf32, #tpu.memory_space<hbm>>) target(%arg8 : memref<64x768xf32, #tpu.memory_space<vmem>>) offsets(%arg6 : memref<64xi32, #tpu.memory_space<vmem>>) semaphore(%arg12 : memref<!tpu.dma_semaphore, #tpu.memory_space<semaphore_mem>>)
    %dma_wait3A_72 = arith.constant 0 : i32
    %dma_wait3A_73 = arith.constant 0 : i32
    %dma_wait3A_74 = tpu.memref_slice %arg2[%dma_wait3A_72, %dma_wait3A_73] : memref<10496x768xf32, #tpu.memory_space<hbm>> -> memref<10496x768xf32, #tpu.memory_space<hbm>>
    tpu.wait_indirect_dma semaphore(%arg12 : memref<!tpu.dma_semaphore, #tpu.memory_space<semaphore_mem>>) src(%dma_wait3A_74 : memref<10496x768xf32, #tpu.memory_space<hbm>>) dst(%arg8 : memref<64x768xf32, #tpu.memory_space<vmem>>)
    %add3A_75 = arith.constant 192 : i32
    %add3A_76 = arith.addi %mul3A_2, %add3A_75 : i32
    %dma_start3A_77 = arith.constant 0 : i32
    %dma_start3A_78 = tpu.memref_slice %arg4[%add3A_76, %dma_start3A_77] : memref<8192x768xf32, #tpu.memory_space<hbm>> -> memref<64x768xf32, #tpu.memory_space<hbm>>
    %dma_start3A_79 = arith.constant 0 : i32
    %dma_start3A_80 = tpu.memref_slice %arg4[%add3A_76, %dma_start3A_79] : memref<8192x768xf32, #tpu.memory_space<hbm>> -> memref<64x768xf32, #tpu.memory_space<hbm>>
    tpu.enqueue_dma source(%arg8 : memref<64x768xf32, #tpu.memory_space<vmem>>) target(%dma_start3A_80 : memref<64x768xf32, #tpu.memory_space<hbm>>) target_semaphore(%arg14 : memref<!tpu.dma_semaphore, #tpu.memory_space<semaphore_mem>>)
    %dma_wait3A_81 = arith.constant 0 : i32
    %dma_wait3A_82 = tpu.memref_slice %arg4[%add3A_58, %dma_wait3A_81] : memref<8192x768xf32, #tpu.memory_space<hbm>> -> memref<64x768xf32, #tpu.memory_space<hbm>>
    %dma_wait3A_83 = arith.constant 0 : i32
    %dma_wait3A_84 = tpu.memref_slice %arg4[%add3A_58, %dma_wait3A_83] : memref<8192x768xf32, #tpu.memory_space<hbm>> -> memref<64x768xf32, #tpu.memory_space<hbm>>
    tpu.wait_dma2 semaphore(%arg13 : memref<!tpu.dma_semaphore, #tpu.memory_space<semaphore_mem>>) src(%arg7 : memref<64x768xf32, #tpu.memory_space<vmem>>) dst(%dma_wait3A_84 : memref<64x768xf32, #tpu.memory_space<hbm>>)
    %dma_wait3A_85 = arith.constant 0 : i32
    %dma_wait3A_86 = tpu.memref_slice %arg4[%add3A_76, %dma_wait3A_85] : memref<8192x768xf32, #tpu.memory_space<hbm>> -> memref<64x768xf32, #tpu.memory_space<hbm>>
    %dma_wait3A_87 = arith.constant 0 : i32
    %dma_wait3A_88 = tpu.memref_slice %arg4[%add3A_76, %dma_wait3A_87] : memref<8192x768xf32, #tpu.memory_space<hbm>> -> memref<64x768xf32, #tpu.memory_space<hbm>>
    tpu.wait_dma2 semaphore(%arg14 : memref<!tpu.dma_semaphore, #tpu.memory_space<semaphore_mem>>) src(%arg8 : memref<64x768xf32, #tpu.memory_space<vmem>>) dst(%dma_wait3A_88 : memref<64x768xf32, #tpu.memory_space<hbm>>)
    return
  }
}

#map = affine_map<(d0, d1) -> (0, 0)>
#map1 = affine_map<(d0, d1) -> (0)>
module attributes {stable_mosaic.version = 14 : i64} {
  func.func @_sc_scatter(%arg0: i32, %arg1: i32, %arg2: memref<8192x896xf32, #tpu.memory_space<hbm>>, %arg3: memref<8192xi32, #tpu.memory_space<hbm>>, %arg4: memref<10240x896xf32, #tpu.memory_space<hbm>>, %arg5: memref<64xi32, #tpu.memory_space<vmem>>, %arg6: memref<64xi32, #tpu.memory_space<vmem>>, %arg7: memref<64x896xf32, #tpu.memory_space<vmem>>, %arg8: memref<64x896xf32, #tpu.memory_space<vmem>>, %arg9: memref<!tpu.dma_semaphore, #tpu.memory_space<semaphore_mem>>, %arg10: memref<!tpu.dma_semaphore, #tpu.memory_space<semaphore_mem>>, %arg11: memref<!tpu.dma_semaphore, #tpu.memory_space<semaphore_mem>>, %arg12: memref<!tpu.dma_semaphore, #tpu.memory_space<semaphore_mem>>) attributes {dimension_semantics = [#tpu.dimension_semantics<core_parallel>, #tpu.dimension_semantics<subcore_parallel>], iteration_bounds = array<i64: 2, 16>, scalar_prefetch = 0 : i64, scratch_operands = 8 : i64, tpu.core_type = #tpu.core_type<sc_vector_subcore>, window_params = [{transform_indices = #map}, {transform_indices = #map1}, {transform_indices = #map}]} {
    %mul3A = arith.constant 2 : i32
    %mul3A_0 = arith.muli %arg1, %mul3A : i32
    %add3A = arith.addi %mul3A_0, %arg0 : i32
    %mul3A_1 = arith.constant 256 : i32
    %mul3A_2 = arith.muli %add3A, %mul3A_1 : i32
    %add3A_3 = arith.constant 0 : i32
    %add3A_4 = arith.addi %mul3A_2, %add3A_3 : i32
    %dma_start3A = tpu.memref_slice %arg3[%add3A_4] : memref<8192xi32, #tpu.memory_space<hbm>> -> memref<64xi32, #tpu.memory_space<hbm>>
    %dma_start3A_5 = tpu.memref_slice %arg3[%add3A_4] : memref<8192xi32, #tpu.memory_space<hbm>> -> memref<64xi32, #tpu.memory_space<hbm>>
    tpu.enqueue_dma source(%dma_start3A_5 : memref<64xi32, #tpu.memory_space<hbm>>) target(%arg5 : memref<64xi32, #tpu.memory_space<vmem>>) target_semaphore(%arg9 : memref<!tpu.dma_semaphore, #tpu.memory_space<semaphore_mem>>)
    %dma_start3A_6 = arith.constant 0 : i32
    %dma_start3A_7 = tpu.memref_slice %arg2[%add3A_4, %dma_start3A_6] : memref<8192x896xf32, #tpu.memory_space<hbm>> -> memref<64x896xf32, #tpu.memory_space<hbm>>
    %dma_start3A_8 = arith.constant 0 : i32
    %dma_start3A_9 = tpu.memref_slice %arg2[%add3A_4, %dma_start3A_8] : memref<8192x896xf32, #tpu.memory_space<hbm>> -> memref<64x896xf32, #tpu.memory_space<hbm>>
    tpu.enqueue_dma source(%dma_start3A_9 : memref<64x896xf32, #tpu.memory_space<hbm>>) target(%arg7 : memref<64x896xf32, #tpu.memory_space<vmem>>) target_semaphore(%arg9 : memref<!tpu.dma_semaphore, #tpu.memory_space<semaphore_mem>>)
    %add3A_10 = arith.constant 64 : i32
    %add3A_11 = arith.addi %mul3A_2, %add3A_10 : i32
    %dma_start3A_12 = tpu.memref_slice %arg3[%add3A_11] : memref<8192xi32, #tpu.memory_space<hbm>> -> memref<64xi32, #tpu.memory_space<hbm>>
    %dma_start3A_13 = tpu.memref_slice %arg3[%add3A_11] : memref<8192xi32, #tpu.memory_space<hbm>> -> memref<64xi32, #tpu.memory_space<hbm>>
    tpu.enqueue_dma source(%dma_start3A_13 : memref<64xi32, #tpu.memory_space<hbm>>) target(%arg6 : memref<64xi32, #tpu.memory_space<vmem>>) target_semaphore(%arg10 : memref<!tpu.dma_semaphore, #tpu.memory_space<semaphore_mem>>)
    %dma_start3A_14 = arith.constant 0 : i32
    %dma_start3A_15 = tpu.memref_slice %arg2[%add3A_11, %dma_start3A_14] : memref<8192x896xf32, #tpu.memory_space<hbm>> -> memref<64x896xf32, #tpu.memory_space<hbm>>
    %dma_start3A_16 = arith.constant 0 : i32
    %dma_start3A_17 = tpu.memref_slice %arg2[%add3A_11, %dma_start3A_16] : memref<8192x896xf32, #tpu.memory_space<hbm>> -> memref<64x896xf32, #tpu.memory_space<hbm>>
    tpu.enqueue_dma source(%dma_start3A_17 : memref<64x896xf32, #tpu.memory_space<hbm>>) target(%arg8 : memref<64x896xf32, #tpu.memory_space<vmem>>) target_semaphore(%arg10 : memref<!tpu.dma_semaphore, #tpu.memory_space<semaphore_mem>>)
    %dma_wait3A = tpu.memref_slice %arg3[%add3A_4] : memref<8192xi32, #tpu.memory_space<hbm>> -> memref<64xi32, #tpu.memory_space<hbm>>
    %dma_wait3A_18 = tpu.memref_slice %arg3[%add3A_4] : memref<8192xi32, #tpu.memory_space<hbm>> -> memref<64xi32, #tpu.memory_space<hbm>>
    tpu.wait_dma2 semaphore(%arg9 : memref<!tpu.dma_semaphore, #tpu.memory_space<semaphore_mem>>) src(%dma_wait3A_18 : memref<64xi32, #tpu.memory_space<hbm>>) dst(%arg5 : memref<64xi32, #tpu.memory_space<vmem>>)
    %dma_wait3A_19 = arith.constant 0 : i32
    %dma_wait3A_20 = tpu.memref_slice %arg2[%add3A_4, %dma_wait3A_19] : memref<8192x896xf32, #tpu.memory_space<hbm>> -> memref<64x896xf32, #tpu.memory_space<hbm>>
    %dma_wait3A_21 = arith.constant 0 : i32
    %dma_wait3A_22 = tpu.memref_slice %arg2[%add3A_4, %dma_wait3A_21] : memref<8192x896xf32, #tpu.memory_space<hbm>> -> memref<64x896xf32, #tpu.memory_space<hbm>>
    tpu.wait_dma2 semaphore(%arg9 : memref<!tpu.dma_semaphore, #tpu.memory_space<semaphore_mem>>) src(%dma_wait3A_22 : memref<64x896xf32, #tpu.memory_space<hbm>>) dst(%arg7 : memref<64x896xf32, #tpu.memory_space<vmem>>)
    %dma_start3A_23 = arith.constant 0 : i32
    %dma_start3A_24 = arith.constant 0 : i32
    %dma_start3A_25 = tpu.memref_slice %arg4[%dma_start3A_23, %dma_start3A_24] : memref<10240x896xf32, #tpu.memory_space<hbm>> -> memref<10240x896xf32, #tpu.memory_space<hbm>>
    tpu.enqueue_indirect_dma source(%arg7 : memref<64x896xf32, #tpu.memory_space<vmem>>) target(%dma_start3A_25 : memref<10240x896xf32, #tpu.memory_space<hbm>>) offsets(%arg5 : memref<64xi32, #tpu.memory_space<vmem>>) semaphore(%arg11 : memref<!tpu.dma_semaphore, #tpu.memory_space<semaphore_mem>>)
    %dma_wait3A_26 = arith.constant 0 : i32
    %dma_wait3A_27 = arith.constant 0 : i32
    %dma_wait3A_28 = tpu.memref_slice %arg4[%dma_wait3A_26, %dma_wait3A_27] : memref<10240x896xf32, #tpu.memory_space<hbm>> -> memref<10240x896xf32, #tpu.memory_space<hbm>>
    tpu.wait_indirect_dma semaphore(%arg11 : memref<!tpu.dma_semaphore, #tpu.memory_space<semaphore_mem>>) src(%arg7 : memref<64x896xf32, #tpu.memory_space<vmem>>) dst(%dma_wait3A_28 : memref<10240x896xf32, #tpu.memory_space<hbm>>)
    %add3A_29 = arith.constant 128 : i32
    %add3A_30 = arith.addi %mul3A_2, %add3A_29 : i32
    %dma_start3A_31 = tpu.memref_slice %arg3[%add3A_30] : memref<8192xi32, #tpu.memory_space<hbm>> -> memref<64xi32, #tpu.memory_space<hbm>>
    %dma_start3A_32 = tpu.memref_slice %arg3[%add3A_30] : memref<8192xi32, #tpu.memory_space<hbm>> -> memref<64xi32, #tpu.memory_space<hbm>>
    tpu.enqueue_dma source(%dma_start3A_32 : memref<64xi32, #tpu.memory_space<hbm>>) target(%arg5 : memref<64xi32, #tpu.memory_space<vmem>>) target_semaphore(%arg9 : memref<!tpu.dma_semaphore, #tpu.memory_space<semaphore_mem>>)
    %dma_start3A_33 = arith.constant 0 : i32
    %dma_start3A_34 = tpu.memref_slice %arg2[%add3A_30, %dma_start3A_33] : memref<8192x896xf32, #tpu.memory_space<hbm>> -> memref<64x896xf32, #tpu.memory_space<hbm>>
    %dma_start3A_35 = arith.constant 0 : i32
    %dma_start3A_36 = tpu.memref_slice %arg2[%add3A_30, %dma_start3A_35] : memref<8192x896xf32, #tpu.memory_space<hbm>> -> memref<64x896xf32, #tpu.memory_space<hbm>>
    tpu.enqueue_dma source(%dma_start3A_36 : memref<64x896xf32, #tpu.memory_space<hbm>>) target(%arg7 : memref<64x896xf32, #tpu.memory_space<vmem>>) target_semaphore(%arg9 : memref<!tpu.dma_semaphore, #tpu.memory_space<semaphore_mem>>)
    %dma_wait3A_37 = tpu.memref_slice %arg3[%add3A_11] : memref<8192xi32, #tpu.memory_space<hbm>> -> memref<64xi32, #tpu.memory_space<hbm>>
    %dma_wait3A_38 = tpu.memref_slice %arg3[%add3A_11] : memref<8192xi32, #tpu.memory_space<hbm>> -> memref<64xi32, #tpu.memory_space<hbm>>
    tpu.wait_dma2 semaphore(%arg10 : memref<!tpu.dma_semaphore, #tpu.memory_space<semaphore_mem>>) src(%dma_wait3A_38 : memref<64xi32, #tpu.memory_space<hbm>>) dst(%arg6 : memref<64xi32, #tpu.memory_space<vmem>>)
    %dma_wait3A_39 = arith.constant 0 : i32
    %dma_wait3A_40 = tpu.memref_slice %arg2[%add3A_11, %dma_wait3A_39] : memref<8192x896xf32, #tpu.memory_space<hbm>> -> memref<64x896xf32, #tpu.memory_space<hbm>>
    %dma_wait3A_41 = arith.constant 0 : i32
    %dma_wait3A_42 = tpu.memref_slice %arg2[%add3A_11, %dma_wait3A_41] : memref<8192x896xf32, #tpu.memory_space<hbm>> -> memref<64x896xf32, #tpu.memory_space<hbm>>
    tpu.wait_dma2 semaphore(%arg10 : memref<!tpu.dma_semaphore, #tpu.memory_space<semaphore_mem>>) src(%dma_wait3A_42 : memref<64x896xf32, #tpu.memory_space<hbm>>) dst(%arg8 : memref<64x896xf32, #tpu.memory_space<vmem>>)
    %dma_start3A_43 = arith.constant 0 : i32
    %dma_start3A_44 = arith.constant 0 : i32
    %dma_start3A_45 = tpu.memref_slice %arg4[%dma_start3A_43, %dma_start3A_44] : memref<10240x896xf32, #tpu.memory_space<hbm>> -> memref<10240x896xf32, #tpu.memory_space<hbm>>
    tpu.enqueue_indirect_dma source(%arg8 : memref<64x896xf32, #tpu.memory_space<vmem>>) target(%dma_start3A_45 : memref<10240x896xf32, #tpu.memory_space<hbm>>) offsets(%arg6 : memref<64xi32, #tpu.memory_space<vmem>>) semaphore(%arg12 : memref<!tpu.dma_semaphore, #tpu.memory_space<semaphore_mem>>)
    %dma_wait3A_46 = arith.constant 0 : i32
    %dma_wait3A_47 = arith.constant 0 : i32
    %dma_wait3A_48 = tpu.memref_slice %arg4[%dma_wait3A_46, %dma_wait3A_47] : memref<10240x896xf32, #tpu.memory_space<hbm>> -> memref<10240x896xf32, #tpu.memory_space<hbm>>
    tpu.wait_indirect_dma semaphore(%arg12 : memref<!tpu.dma_semaphore, #tpu.memory_space<semaphore_mem>>) src(%arg8 : memref<64x896xf32, #tpu.memory_space<vmem>>) dst(%dma_wait3A_48 : memref<10240x896xf32, #tpu.memory_space<hbm>>)
    %add3A_49 = arith.constant 192 : i32
    %add3A_50 = arith.addi %mul3A_2, %add3A_49 : i32
    %dma_start3A_51 = tpu.memref_slice %arg3[%add3A_50] : memref<8192xi32, #tpu.memory_space<hbm>> -> memref<64xi32, #tpu.memory_space<hbm>>
    %dma_start3A_52 = tpu.memref_slice %arg3[%add3A_50] : memref<8192xi32, #tpu.memory_space<hbm>> -> memref<64xi32, #tpu.memory_space<hbm>>
    tpu.enqueue_dma source(%dma_start3A_52 : memref<64xi32, #tpu.memory_space<hbm>>) target(%arg6 : memref<64xi32, #tpu.memory_space<vmem>>) target_semaphore(%arg10 : memref<!tpu.dma_semaphore, #tpu.memory_space<semaphore_mem>>)
    %dma_start3A_53 = arith.constant 0 : i32
    %dma_start3A_54 = tpu.memref_slice %arg2[%add3A_50, %dma_start3A_53] : memref<8192x896xf32, #tpu.memory_space<hbm>> -> memref<64x896xf32, #tpu.memory_space<hbm>>
    %dma_start3A_55 = arith.constant 0 : i32
    %dma_start3A_56 = tpu.memref_slice %arg2[%add3A_50, %dma_start3A_55] : memref<8192x896xf32, #tpu.memory_space<hbm>> -> memref<64x896xf32, #tpu.memory_space<hbm>>
    tpu.enqueue_dma source(%dma_start3A_56 : memref<64x896xf32, #tpu.memory_space<hbm>>) target(%arg8 : memref<64x896xf32, #tpu.memory_space<vmem>>) target_semaphore(%arg10 : memref<!tpu.dma_semaphore, #tpu.memory_space<semaphore_mem>>)
    %dma_wait3A_57 = tpu.memref_slice %arg3[%add3A_30] : memref<8192xi32, #tpu.memory_space<hbm>> -> memref<64xi32, #tpu.memory_space<hbm>>
    %dma_wait3A_58 = tpu.memref_slice %arg3[%add3A_30] : memref<8192xi32, #tpu.memory_space<hbm>> -> memref<64xi32, #tpu.memory_space<hbm>>
    tpu.wait_dma2 semaphore(%arg9 : memref<!tpu.dma_semaphore, #tpu.memory_space<semaphore_mem>>) src(%dma_wait3A_58 : memref<64xi32, #tpu.memory_space<hbm>>) dst(%arg5 : memref<64xi32, #tpu.memory_space<vmem>>)
    %dma_wait3A_59 = arith.constant 0 : i32
    %dma_wait3A_60 = tpu.memref_slice %arg2[%add3A_30, %dma_wait3A_59] : memref<8192x896xf32, #tpu.memory_space<hbm>> -> memref<64x896xf32, #tpu.memory_space<hbm>>
    %dma_wait3A_61 = arith.constant 0 : i32
    %dma_wait3A_62 = tpu.memref_slice %arg2[%add3A_30, %dma_wait3A_61] : memref<8192x896xf32, #tpu.memory_space<hbm>> -> memref<64x896xf32, #tpu.memory_space<hbm>>
    tpu.wait_dma2 semaphore(%arg9 : memref<!tpu.dma_semaphore, #tpu.memory_space<semaphore_mem>>) src(%dma_wait3A_62 : memref<64x896xf32, #tpu.memory_space<hbm>>) dst(%arg7 : memref<64x896xf32, #tpu.memory_space<vmem>>)
    %dma_start3A_63 = arith.constant 0 : i32
    %dma_start3A_64 = arith.constant 0 : i32
    %dma_start3A_65 = tpu.memref_slice %arg4[%dma_start3A_63, %dma_start3A_64] : memref<10240x896xf32, #tpu.memory_space<hbm>> -> memref<10240x896xf32, #tpu.memory_space<hbm>>
    tpu.enqueue_indirect_dma source(%arg7 : memref<64x896xf32, #tpu.memory_space<vmem>>) target(%dma_start3A_65 : memref<10240x896xf32, #tpu.memory_space<hbm>>) offsets(%arg5 : memref<64xi32, #tpu.memory_space<vmem>>) semaphore(%arg11 : memref<!tpu.dma_semaphore, #tpu.memory_space<semaphore_mem>>)
    %dma_wait3A_66 = arith.constant 0 : i32
    %dma_wait3A_67 = arith.constant 0 : i32
    %dma_wait3A_68 = tpu.memref_slice %arg4[%dma_wait3A_66, %dma_wait3A_67] : memref<10240x896xf32, #tpu.memory_space<hbm>> -> memref<10240x896xf32, #tpu.memory_space<hbm>>
    tpu.wait_indirect_dma semaphore(%arg11 : memref<!tpu.dma_semaphore, #tpu.memory_space<semaphore_mem>>) src(%arg7 : memref<64x896xf32, #tpu.memory_space<vmem>>) dst(%dma_wait3A_68 : memref<10240x896xf32, #tpu.memory_space<hbm>>)
    %dma_wait3A_69 = tpu.memref_slice %arg3[%add3A_50] : memref<8192xi32, #tpu.memory_space<hbm>> -> memref<64xi32, #tpu.memory_space<hbm>>
    %dma_wait3A_70 = tpu.memref_slice %arg3[%add3A_50] : memref<8192xi32, #tpu.memory_space<hbm>> -> memref<64xi32, #tpu.memory_space<hbm>>
    tpu.wait_dma2 semaphore(%arg10 : memref<!tpu.dma_semaphore, #tpu.memory_space<semaphore_mem>>) src(%dma_wait3A_70 : memref<64xi32, #tpu.memory_space<hbm>>) dst(%arg6 : memref<64xi32, #tpu.memory_space<vmem>>)
    %dma_wait3A_71 = arith.constant 0 : i32
    %dma_wait3A_72 = tpu.memref_slice %arg2[%add3A_50, %dma_wait3A_71] : memref<8192x896xf32, #tpu.memory_space<hbm>> -> memref<64x896xf32, #tpu.memory_space<hbm>>
    %dma_wait3A_73 = arith.constant 0 : i32
    %dma_wait3A_74 = tpu.memref_slice %arg2[%add3A_50, %dma_wait3A_73] : memref<8192x896xf32, #tpu.memory_space<hbm>> -> memref<64x896xf32, #tpu.memory_space<hbm>>
    tpu.wait_dma2 semaphore(%arg10 : memref<!tpu.dma_semaphore, #tpu.memory_space<semaphore_mem>>) src(%dma_wait3A_74 : memref<64x896xf32, #tpu.memory_space<hbm>>) dst(%arg8 : memref<64x896xf32, #tpu.memory_space<vmem>>)
    %dma_start3A_75 = arith.constant 0 : i32
    %dma_start3A_76 = arith.constant 0 : i32
    %dma_start3A_77 = tpu.memref_slice %arg4[%dma_start3A_75, %dma_start3A_76] : memref<10240x896xf32, #tpu.memory_space<hbm>> -> memref<10240x896xf32, #tpu.memory_space<hbm>>
    tpu.enqueue_indirect_dma source(%arg8 : memref<64x896xf32, #tpu.memory_space<vmem>>) target(%dma_start3A_77 : memref<10240x896xf32, #tpu.memory_space<hbm>>) offsets(%arg6 : memref<64xi32, #tpu.memory_space<vmem>>) semaphore(%arg12 : memref<!tpu.dma_semaphore, #tpu.memory_space<semaphore_mem>>)
    %dma_wait3A_78 = arith.constant 0 : i32
    %dma_wait3A_79 = arith.constant 0 : i32
    %dma_wait3A_80 = tpu.memref_slice %arg4[%dma_wait3A_78, %dma_wait3A_79] : memref<10240x896xf32, #tpu.memory_space<hbm>> -> memref<10240x896xf32, #tpu.memory_space<hbm>>
    tpu.wait_indirect_dma semaphore(%arg12 : memref<!tpu.dma_semaphore, #tpu.memory_space<semaphore_mem>>) src(%arg8 : memref<64x896xf32, #tpu.memory_space<vmem>>) dst(%dma_wait3A_80 : memref<10240x896xf32, #tpu.memory_space<hbm>>)
    return
  }
}

module attributes {stable_mosaic.version = 14 : i64} {
  func.func @_mlp_body(%arg0: i32, %arg1: memref<161xi32, #tpu.memory_space<smem>>, %arg2: memref<256x896xf32, #tpu.memory_space<vmem>>, %arg3: memref<8x1536x896xf32, #tpu.memory_space<hbm>>, %arg4: memref<1x1x1536xf32, #tpu.memory_space<vmem>>, %arg5: memref<8x768x1536xf32, #tpu.memory_space<hbm>>, %arg6: memref<1x1x768xf32, #tpu.memory_space<vmem>>, %arg7: memref<256x768xf32, #tpu.memory_space<vmem>>, %arg8: memref<2x1536x896xf32, #tpu.memory_space<vmem>>, %arg9: memref<2x768x1536xf32, #tpu.memory_space<vmem>>, %arg10: memref<1536x896xbf16, #tpu.memory_space<vmem>>, %arg11: memref<768x1536xbf16, #tpu.memory_space<vmem>>, %arg12: memref<2x!tpu.dma_semaphore, #tpu.memory_space<semaphore_mem>>) attributes {dimension_semantics = [#tpu.dimension_semantics<arbitrary>], iteration_bounds = array<i64: 40>, scalar_prefetch = 1 : i64, scratch_operands = 5 : i64, tpu.core_type = #tpu.core_type<tc>, window_params = [{transform_indices = @transform_0, window_bounds = array<i64: 256, 896>}, {}, {transform_indices = @transform_2, window_bounds = array<i64: 1, 1, 1536>}, {}, {transform_indices = @transform_4, window_bounds = array<i64: 1, 1, 768>}, {transform_indices = @transform_5, window_bounds = array<i64: 256, 768>}]} {
    %get3A = arith.constant 40 : index
    %get3A_0 = memref.load %arg1[%get3A] : memref<161xi32, #tpu.memory_space<smem>>
    %add3A = arith.constant 41 : i32
    %add3A_1 = arith.addi %add3A, %arg0 : i32
    %get3A_2 = arith.index_cast %add3A_1 : i32 to index
    %get3A_3 = memref.load %arg1[%get3A_2] : memref<161xi32, #tpu.memory_space<smem>>
    %add3A_4 = arith.constant 81 : i32
    %add3A_5 = arith.addi %add3A_4, %arg0 : i32
    %get3A_6 = arith.index_cast %add3A_5 : i32 to index
    %get3A_7 = memref.load %arg1[%get3A_6] : memref<161xi32, #tpu.memory_space<smem>>
    %add3A_8 = arith.constant 121 : i32
    %add3A_9 = arith.addi %add3A_8, %arg0 : i32
    %get3A_10 = arith.index_cast %add3A_9 : i32 to index
    %get3A_11 = memref.load %arg1[%get3A_10] : memref<161xi32, #tpu.memory_space<smem>>
    %eq3A = arith.constant 0 : i32
    %eq3A_12 = arith.cmpi eq, %arg0, %eq3A : i32
    %convert_element_type3A = arith.extui %eq3A_12 : i1 to i32
    %cond3A = arith.constant 0 : i32
    %cond3A_13 = arith.cmpi ne, %convert_element_type3A, %cond3A : i32
    scf.if %cond3A_13 {
      %get3A_22 = arith.constant 0 : index
      %get3A_23 = memref.load %arg1[%get3A_22] : memref<161xi32, #tpu.memory_space<smem>>
      %dma_start3A = arith.constant 0 : i32
      %dma_start3A_24 = arith.constant 0 : i32
      %dma_start3A_25 = tpu.memref_slice %arg12[%dma_start3A_24] : memref<2x!tpu.dma_semaphore, #tpu.memory_space<semaphore_mem>> -> memref<1x!tpu.dma_semaphore, #tpu.memory_space<semaphore_mem>>
      %dma_start3A_26 = tpu.memref_squeeze %dma_start3A_25 : memref<1x!tpu.dma_semaphore, #tpu.memory_space<semaphore_mem>> -> memref<!tpu.dma_semaphore, #tpu.memory_space<semaphore_mem>>
      %dma_start3A_27 = arith.constant 0 : i32
      %dma_start3A_28 = arith.constant 0 : i32
      %dma_start3A_29 = tpu.memref_slice %arg8[%dma_start3A, %dma_start3A_27, %dma_start3A_28] : memref<2x1536x896xf32, #tpu.memory_space<vmem>> -> memref<1x1536x896xf32, #tpu.memory_space<vmem>>
      %dma_start3A_30 = tpu.memref_squeeze %dma_start3A_29 : memref<1x1536x896xf32, #tpu.memory_space<vmem>> -> memref<1536x896xf32, #tpu.memory_space<vmem>>
      %dma_start3A_31 = arith.constant 0 : i32
      %dma_start3A_32 = arith.constant 0 : i32
      %dma_start3A_33 = tpu.memref_slice %arg3[%get3A_23, %dma_start3A_31, %dma_start3A_32] : memref<8x1536x896xf32, #tpu.memory_space<hbm>> -> memref<1x1536x896xf32, #tpu.memory_space<hbm>>
      %dma_start3A_34 = tpu.memref_squeeze %dma_start3A_33 : memref<1x1536x896xf32, #tpu.memory_space<hbm>> -> memref<1536x896xf32, #tpu.memory_space<hbm>>
      tpu.enqueue_dma source(%dma_start3A_34 : memref<1536x896xf32, #tpu.memory_space<hbm>>) target(%dma_start3A_30 : memref<1536x896xf32, #tpu.memory_space<vmem>>) target_semaphore(%dma_start3A_26 : memref<!tpu.dma_semaphore, #tpu.memory_space<semaphore_mem>>)
      %dma_start3A_35 = arith.constant 0 : i32
      %dma_start3A_36 = arith.constant 0 : i32
      %dma_start3A_37 = tpu.memref_slice %arg12[%dma_start3A_36] : memref<2x!tpu.dma_semaphore, #tpu.memory_space<semaphore_mem>> -> memref<1x!tpu.dma_semaphore, #tpu.memory_space<semaphore_mem>>
      %dma_start3A_38 = tpu.memref_squeeze %dma_start3A_37 : memref<1x!tpu.dma_semaphore, #tpu.memory_space<semaphore_mem>> -> memref<!tpu.dma_semaphore, #tpu.memory_space<semaphore_mem>>
      %dma_start3A_39 = arith.constant 0 : i32
      %dma_start3A_40 = arith.constant 0 : i32
      %dma_start3A_41 = tpu.memref_slice %arg9[%dma_start3A_35, %dma_start3A_39, %dma_start3A_40] : memref<2x768x1536xf32, #tpu.memory_space<vmem>> -> memref<1x768x1536xf32, #tpu.memory_space<vmem>>
      %dma_start3A_42 = tpu.memref_squeeze %dma_start3A_41 : memref<1x768x1536xf32, #tpu.memory_space<vmem>> -> memref<768x1536xf32, #tpu.memory_space<vmem>>
      %dma_start3A_43 = arith.constant 0 : i32
      %dma_start3A_44 = arith.constant 0 : i32
      %dma_start3A_45 = tpu.memref_slice %arg5[%get3A_23, %dma_start3A_43, %dma_start3A_44] : memref<8x768x1536xf32, #tpu.memory_space<hbm>> -> memref<1x768x1536xf32, #tpu.memory_space<hbm>>
      %dma_start3A_46 = tpu.memref_squeeze %dma_start3A_45 : memref<1x768x1536xf32, #tpu.memory_space<hbm>> -> memref<768x1536xf32, #tpu.memory_space<hbm>>
      tpu.enqueue_dma source(%dma_start3A_46 : memref<768x1536xf32, #tpu.memory_space<hbm>>) target(%dma_start3A_42 : memref<768x1536xf32, #tpu.memory_space<vmem>>) target_semaphore(%dma_start3A_38 : memref<!tpu.dma_semaphore, #tpu.memory_space<semaphore_mem>>)
    } else {
    }
    %eq3A_14 = arith.constant 1 : i32
    %eq3A_15 = arith.cmpi eq, %get3A_3, %eq3A_14 : i32
    %convert_element_type3A_16 = arith.extui %eq3A_15 : i1 to i32
    %cond3A_17 = arith.constant 0 : i32
    %cond3A_18 = arith.cmpi ne, %convert_element_type3A_16, %cond3A_17 : i32
    scf.if %cond3A_18 {
      %get3A_22 = arith.index_cast %arg0 : i32 to index
      %get3A_23 = memref.load %arg1[%get3A_22] : memref<161xi32, #tpu.memory_space<smem>>
      %dma_wait3A = tpu.memref_slice %arg12[%get3A_7] : memref<2x!tpu.dma_semaphore, #tpu.memory_space<semaphore_mem>> -> memref<1x!tpu.dma_semaphore, #tpu.memory_space<semaphore_mem>>
      %dma_wait3A_24 = tpu.memref_squeeze %dma_wait3A : memref<1x!tpu.dma_semaphore, #tpu.memory_space<semaphore_mem>> -> memref<!tpu.dma_semaphore, #tpu.memory_space<semaphore_mem>>
      %dma_wait3A_25 = arith.constant 0 : i32
      %dma_wait3A_26 = arith.constant 0 : i32
      %dma_wait3A_27 = tpu.memref_slice %arg8[%get3A_7, %dma_wait3A_25, %dma_wait3A_26] : memref<2x1536x896xf32, #tpu.memory_space<vmem>> -> memref<1x1536x896xf32, #tpu.memory_space<vmem>>
      %dma_wait3A_28 = tpu.memref_squeeze %dma_wait3A_27 : memref<1x1536x896xf32, #tpu.memory_space<vmem>> -> memref<1536x896xf32, #tpu.memory_space<vmem>>
      %dma_wait3A_29 = arith.constant 0 : i32
      %dma_wait3A_30 = arith.constant 0 : i32
      %dma_wait3A_31 = tpu.memref_slice %arg3[%get3A_23, %dma_wait3A_29, %dma_wait3A_30] : memref<8x1536x896xf32, #tpu.memory_space<hbm>> -> memref<1x1536x896xf32, #tpu.memory_space<hbm>>
      %dma_wait3A_32 = tpu.memref_squeeze %dma_wait3A_31 : memref<1x1536x896xf32, #tpu.memory_space<hbm>> -> memref<1536x896xf32, #tpu.memory_space<hbm>>
      tpu.wait_dma2 semaphore(%dma_wait3A_24 : memref<!tpu.dma_semaphore, #tpu.memory_space<semaphore_mem>>) src(%dma_wait3A_32 : memref<1536x896xf32, #tpu.memory_space<hbm>>) dst(%dma_wait3A_28 : memref<1536x896xf32, #tpu.memory_space<vmem>>)
      %dma_wait3A_33 = tpu.memref_slice %arg12[%get3A_7] : memref<2x!tpu.dma_semaphore, #tpu.memory_space<semaphore_mem>> -> memref<1x!tpu.dma_semaphore, #tpu.memory_space<semaphore_mem>>
      %dma_wait3A_34 = tpu.memref_squeeze %dma_wait3A_33 : memref<1x!tpu.dma_semaphore, #tpu.memory_space<semaphore_mem>> -> memref<!tpu.dma_semaphore, #tpu.memory_space<semaphore_mem>>
      %dma_wait3A_35 = arith.constant 0 : i32
      %dma_wait3A_36 = arith.constant 0 : i32
      %dma_wait3A_37 = tpu.memref_slice %arg9[%get3A_7, %dma_wait3A_35, %dma_wait3A_36] : memref<2x768x1536xf32, #tpu.memory_space<vmem>> -> memref<1x768x1536xf32, #tpu.memory_space<vmem>>
      %dma_wait3A_38 = tpu.memref_squeeze %dma_wait3A_37 : memref<1x768x1536xf32, #tpu.memory_space<vmem>> -> memref<768x1536xf32, #tpu.memory_space<vmem>>
      %dma_wait3A_39 = arith.constant 0 : i32
      %dma_wait3A_40 = arith.constant 0 : i32
      %dma_wait3A_41 = tpu.memref_slice %arg5[%get3A_23, %dma_wait3A_39, %dma_wait3A_40] : memref<8x768x1536xf32, #tpu.memory_space<hbm>> -> memref<1x768x1536xf32, #tpu.memory_space<hbm>>
      %dma_wait3A_42 = tpu.memref_squeeze %dma_wait3A_41 : memref<1x768x1536xf32, #tpu.memory_space<hbm>> -> memref<768x1536xf32, #tpu.memory_space<hbm>>
      tpu.wait_dma2 semaphore(%dma_wait3A_34 : memref<!tpu.dma_semaphore, #tpu.memory_space<semaphore_mem>>) src(%dma_wait3A_42 : memref<768x1536xf32, #tpu.memory_space<hbm>>) dst(%dma_wait3A_38 : memref<768x1536xf32, #tpu.memory_space<vmem>>)
      %ge3A = arith.constant 0 : i32
      %ge3A_43 = arith.cmpi sge, %get3A_11, %ge3A : i32
      %convert_element_type3A_44 = arith.extui %ge3A_43 : i1 to i32
      %cond3A_45 = arith.constant 0 : i32
      %cond3A_46 = arith.cmpi ne, %convert_element_type3A_44, %cond3A_45 : i32
      scf.if %cond3A_46 {
        %sub3A = arith.constant 1 : i32
        %sub3A_64 = arith.subi %sub3A, %get3A_7 : i32
        %dma_start3A = tpu.memref_slice %arg12[%sub3A_64] : memref<2x!tpu.dma_semaphore, #tpu.memory_space<semaphore_mem>> -> memref<1x!tpu.dma_semaphore, #tpu.memory_space<semaphore_mem>>
        %dma_start3A_65 = tpu.memref_squeeze %dma_start3A : memref<1x!tpu.dma_semaphore, #tpu.memory_space<semaphore_mem>> -> memref<!tpu.dma_semaphore, #tpu.memory_space<semaphore_mem>>
        %dma_start3A_66 = arith.constant 0 : i32
        %dma_start3A_67 = arith.constant 0 : i32
        %dma_start3A_68 = tpu.memref_slice %arg8[%sub3A_64, %dma_start3A_66, %dma_start3A_67] : memref<2x1536x896xf32, #tpu.memory_space<vmem>> -> memref<1x1536x896xf32, #tpu.memory_space<vmem>>
        %dma_start3A_69 = tpu.memref_squeeze %dma_start3A_68 : memref<1x1536x896xf32, #tpu.memory_space<vmem>> -> memref<1536x896xf32, #tpu.memory_space<vmem>>
        %dma_start3A_70 = arith.constant 0 : i32
        %dma_start3A_71 = arith.constant 0 : i32
        %dma_start3A_72 = tpu.memref_slice %arg3[%get3A_11, %dma_start3A_70, %dma_start3A_71] : memref<8x1536x896xf32, #tpu.memory_space<hbm>> -> memref<1x1536x896xf32, #tpu.memory_space<hbm>>
        %dma_start3A_73 = tpu.memref_squeeze %dma_start3A_72 : memref<1x1536x896xf32, #tpu.memory_space<hbm>> -> memref<1536x896xf32, #tpu.memory_space<hbm>>
        tpu.enqueue_dma source(%dma_start3A_73 : memref<1536x896xf32, #tpu.memory_space<hbm>>) target(%dma_start3A_69 : memref<1536x896xf32, #tpu.memory_space<vmem>>) target_semaphore(%dma_start3A_65 : memref<!tpu.dma_semaphore, #tpu.memory_space<semaphore_mem>>)
        %dma_start3A_74 = tpu.memref_slice %arg12[%sub3A_64] : memref<2x!tpu.dma_semaphore, #tpu.memory_space<semaphore_mem>> -> memref<1x!tpu.dma_semaphore, #tpu.memory_space<semaphore_mem>>
        %dma_start3A_75 = tpu.memref_squeeze %dma_start3A_74 : memref<1x!tpu.dma_semaphore, #tpu.memory_space<semaphore_mem>> -> memref<!tpu.dma_semaphore, #tpu.memory_space<semaphore_mem>>
        %dma_start3A_76 = arith.constant 0 : i32
        %dma_start3A_77 = arith.constant 0 : i32
        %dma_start3A_78 = tpu.memref_slice %arg9[%sub3A_64, %dma_start3A_76, %dma_start3A_77] : memref<2x768x1536xf32, #tpu.memory_space<vmem>> -> memref<1x768x1536xf32, #tpu.memory_space<vmem>>
        %dma_start3A_79 = tpu.memref_squeeze %dma_start3A_78 : memref<1x768x1536xf32, #tpu.memory_space<vmem>> -> memref<768x1536xf32, #tpu.memory_space<vmem>>
        %dma_start3A_80 = arith.constant 0 : i32
        %dma_start3A_81 = arith.constant 0 : i32
        %dma_start3A_82 = tpu.memref_slice %arg5[%get3A_11, %dma_start3A_80, %dma_start3A_81] : memref<8x768x1536xf32, #tpu.memory_space<hbm>> -> memref<1x768x1536xf32, #tpu.memory_space<hbm>>
        %dma_start3A_83 = tpu.memref_squeeze %dma_start3A_82 : memref<1x768x1536xf32, #tpu.memory_space<hbm>> -> memref<768x1536xf32, #tpu.memory_space<hbm>>
        tpu.enqueue_dma source(%dma_start3A_83 : memref<768x1536xf32, #tpu.memory_space<hbm>>) target(%dma_start3A_79 : memref<768x1536xf32, #tpu.memory_space<vmem>>) target_semaphore(%dma_start3A_75 : memref<!tpu.dma_semaphore, #tpu.memory_space<semaphore_mem>>)
      } else {
      }
      %get3A_47 = arith.index_cast %get3A_7 : i32 to index
      %get3A_48 = arith.constant 0 : index
      %get3A_49 = arith.constant 0 : index
      %get3A_50 = vector.load %arg8[%get3A_47, %get3A_48, %get3A_49] : memref<2x1536x896xf32, #tpu.memory_space<vmem>>, vector<1x1536x896xf32>
      %get3A_51 = vector.shape_cast %get3A_50 : vector<1x1536x896xf32> to vector<1536x896xf32>
      %convert_element_type3A_52 = arith.truncf %get3A_51 : vector<1536x896xf32> to vector<1536x896xbf16>
      %swap3A = arith.constant 0 : index
      %swap3A_53 = arith.constant 0 : index
      %swap3A_54 = vector.load %arg10[%swap3A, %swap3A_53] : memref<1536x896xbf16, #tpu.memory_space<vmem>>, vector<1536x896xbf16>
      tpu.vector_store %arg10[%swap3A, %swap3A_53], %convert_element_type3A_52 {strides = array<i32>} : memref<1536x896xbf16, #tpu.memory_space<vmem>>, vector<1536x896xbf16>,
      %get3A_55 = arith.index_cast %get3A_7 : i32 to index
      %get3A_56 = arith.constant 0 : index
      %get3A_57 = arith.constant 0 : index
      %get3A_58 = vector.load %arg9[%get3A_55, %get3A_56, %get3A_57] : memref<2x768x1536xf32, #tpu.memory_space<vmem>>, vector<1x768x1536xf32>
      %get3A_59 = vector.shape_cast %get3A_58 : vector<1x768x1536xf32> to vector<768x1536xf32>
      %convert_element_type3A_60 = arith.truncf %get3A_59 : vector<768x1536xf32> to vector<768x1536xbf16>
      %swap3A_61 = arith.constant 0 : index
      %swap3A_62 = arith.constant 0 : index
      %swap3A_63 = vector.load %arg11[%swap3A_61, %swap3A_62] : memref<768x1536xbf16, #tpu.memory_space<vmem>>, vector<768x1536xbf16>
      tpu.vector_store %arg11[%swap3A_61, %swap3A_62], %convert_element_type3A_60 {strides = array<i32>} : memref<768x1536xbf16, #tpu.memory_space<vmem>>, vector<768x1536xbf16>,
    } else {
    }
    %lt3A = arith.cmpi slt, %arg0, %get3A_0 : i32
    %convert_element_type3A_19 = arith.extui %lt3A : i1 to i32
    %cond3A_20 = arith.constant 0 : i32
    %cond3A_21 = arith.cmpi ne, %convert_element_type3A_19, %cond3A_20 : i32
    scf.if %cond3A_21 {
      %get3A_22 = arith.constant 0 : index
      %get3A_23 = arith.constant 0 : index
      %get3A_24 = vector.load %arg2[%get3A_22, %get3A_23] : memref<256x896xf32, #tpu.memory_space<vmem>>, vector<256x896xf32>
      %convert_element_type3A_25 = arith.truncf %get3A_24 : vector<256x896xf32> to vector<256x896xbf16>
      %get3A_26 = arith.constant 0 : index
      %get3A_27 = arith.constant 0 : index
      %get3A_28 = vector.load %arg10[%get3A_26, %get3A_27] : memref<1536x896xbf16, #tpu.memory_space<vmem>>, vector<1536x896xbf16>
      %dot_general3A = arith.constant dense<0.000000e+00> : vector<256x1536xf32>
      %dot_general3A_29 = tpu.matmul %convert_element_type3A_25, %get3A_28, %dot_general3A {dimension_numbers = #tpu.dot_dimension_numbers<[1], [1], [0], [0], [0, 0, 1, 0], [], []>, transpose_lhs_hint = false} : vector<256x896xbf16>, vector<1536x896xbf16>, vector<256x1536xf32> -> vector<256x1536xf32>
      %get3A_30 = arith.constant 0 : index
      %get3A_31 = arith.constant 0 : index
      %get3A_32 = arith.constant 0 : index
      %get3A_33 = vector.load %arg4[%get3A_30, %get3A_31, %get3A_32] : memref<1x1x1536xf32, #tpu.memory_space<vmem>>, vector<1x1x1536xf32>
      %get3A_34 = vector.shape_cast %get3A_33 : vector<1x1x1536xf32> to vector<1x1536xf32>
      %add3A_35 = vector.broadcast %get3A_34 : vector<1x1536xf32> to vector<256x1536xf32>
      %add3A_36 = arith.addf %dot_general3A_29, %add3A_35 : vector<256x1536xf32>
      %mul3A = arith.constant 5.000000e-01 : f32
      %mul3A_37 = vector.broadcast %mul3A : f32 to vector<256x1536xf32>
      %mul3A_38 = arith.mulf %mul3A_37, %add3A_36 : vector<256x1536xf32>
      %mul3A_39 = arith.constant 0.707106769 : f32
      %mul3A_40 = vector.broadcast %mul3A_39 : f32 to vector<256x1536xf32>
      %mul3A_41 = arith.mulf %add3A_36, %mul3A_40 : vector<256x1536xf32>
      %erf3A = math.erf %mul3A_41 : vector<256x1536xf32>
      %add3A_42 = arith.constant 1.000000e+00 : f32
      %add3A_43 = vector.broadcast %add3A_42 : f32 to vector<256x1536xf32>
      %add3A_44 = arith.addf %add3A_43, %erf3A : vector<256x1536xf32>
      %mul3A_45 = arith.mulf %mul3A_38, %add3A_44 : vector<256x1536xf32>
      %convert_element_type3A_46 = arith.truncf %mul3A_45 : vector<256x1536xf32> to vector<256x1536xbf16>
      %get3A_47 = arith.constant 0 : index
      %get3A_48 = arith.constant 0 : index
      %get3A_49 = vector.load %arg11[%get3A_47, %get3A_48] : memref<768x1536xbf16, #tpu.memory_space<vmem>>, vector<768x1536xbf16>
      %dot_general3A_50 = arith.constant dense<0.000000e+00> : vector<256x768xf32>
      %dot_general3A_51 = tpu.matmul %convert_element_type3A_46, %get3A_49, %dot_general3A_50 {dimension_numbers = #tpu.dot_dimension_numbers<[1], [1], [0], [0], [0, 0, 1, 0], [], []>, transpose_lhs_hint = false} : vector<256x1536xbf16>, vector<768x1536xbf16>, vector<256x768xf32> -> vector<256x768xf32>
      %get3A_52 = arith.constant 0 : index
      %get3A_53 = arith.constant 0 : index
      %get3A_54 = arith.constant 0 : index
      %get3A_55 = vector.load %arg6[%get3A_52, %get3A_53, %get3A_54] : memref<1x1x768xf32, #tpu.memory_space<vmem>>, vector<1x1x768xf32>
      %get3A_56 = vector.shape_cast %get3A_55 : vector<1x1x768xf32> to vector<1x768xf32>
      %add3A_57 = vector.broadcast %get3A_56 : vector<1x768xf32> to vector<256x768xf32>
      %add3A_58 = arith.addf %dot_general3A_51, %add3A_57 : vector<256x768xf32>
      %swap3A = arith.constant 0 : index
      %swap3A_59 = arith.constant 0 : index
      %swap3A_60 = vector.load %arg7[%swap3A, %swap3A_59] : memref<256x768xf32, #tpu.memory_space<vmem>>, vector<256x768xf32>
      tpu.vector_store %arg7[%swap3A, %swap3A_59], %add3A_58 {strides = array<i32>} : memref<256x768xf32, #tpu.memory_space<vmem>>, vector<256x768xf32>,
    } else {
    }
    return
  }
  func.func @transform_0(%arg0: i32, %arg1: memref<161xi32, #tpu.memory_space<smem>>) -> (i32, i32) {
    %get3A = arith.constant 40 : index
    %get3A_0 = memref.load %arg1[%get3A] : memref<161xi32, #tpu.memory_space<smem>>
    %sub3A = arith.constant 1 : i32
    %sub3A_1 = arith.subi %get3A_0, %sub3A : i32
    %min3A = arith.minsi %arg0, %sub3A_1 : i32
    %c0_i32 = arith.constant 0 : i32
    %c0_i32_2 = arith.constant 0 : i32
    return %min3A, %c0_i32 : i32, i32
  }
  func.func @transform_2(%arg0: i32, %arg1: memref<161xi32, #tpu.memory_space<smem>>) -> (i32, i32, i32) {
    %get3A = arith.index_cast %arg0 : i32 to index
    %get3A_0 = memref.load %arg1[%get3A] : memref<161xi32, #tpu.memory_space<smem>>
    %c0_i32 = arith.constant 0 : i32
    %c0_i32_1 = arith.constant 0 : i32
    %c0_i32_2 = arith.constant 0 : i32
    return %get3A_0, %c0_i32, %c0_i32_1 : i32, i32, i32
  }
  func.func @transform_4(%arg0: i32, %arg1: memref<161xi32, #tpu.memory_space<smem>>) -> (i32, i32, i32) {
    %get3A = arith.index_cast %arg0 : i32 to index
    %get3A_0 = memref.load %arg1[%get3A] : memref<161xi32, #tpu.memory_space<smem>>
    %c0_i32 = arith.constant 0 : i32
    %c0_i32_1 = arith.constant 0 : i32
    %c0_i32_2 = arith.constant 0 : i32
    return %get3A_0, %c0_i32, %c0_i32_1 : i32, i32, i32
  }
  func.func @transform_5(%arg0: i32, %arg1: memref<161xi32, #tpu.memory_space<smem>>) -> (i32, i32) {
    %get3A = arith.constant 40 : index
    %get3A_0 = memref.load %arg1[%get3A] : memref<161xi32, #tpu.memory_space<smem>>
    %lt3A = arith.cmpi slt, %arg0, %get3A_0 : i32
    %jit3A = arith.constant 40 : i32
    %select_n3A = arith.select %lt3A, %arg0, %jit3A : i32
    %c0_i32 = arith.constant 0 : i32
    %c0_i32_1 = arith.constant 0 : i32
    return %select_n3A, %c0_i32 : i32, i32
  }
}

</mosaic_0001>

<sc_bundles>
// kernel: kernel.5.cloned.1.call-start
scs
__scs_entry_jumppad:
0x0: {  	(pc) =	sbr.rel $0x88, $3  }
0x1: {  	(tag) =	ssettag $0x0;
	lr =	simm.s32 $0x1  }
0x2: {  	[smem:$0x3F9B] =	sst lr;
	_ =	strace $0xD0000000  }
0x3: {  	_ = 	snop  }
0x4: {  	_ = 	snop  }
0x5: {  	_ = 	snop  }
0x6: {  	_ = 	snop  }
0x7: {  	_ = 	snop  }
__scs_overlays_trampoline_lowered:
0x8: {  	[smem:$0x3FAA] =	sst s0  }
0x9: {  	[smem:$0x3FAB] =	sst s1  }
0xa: {  	[smem:$0x3FAC] =	sst s2  }
0xb: {  	[smem:$0x3FAD] =	sst s3  }
0xc: {  	[smem:$0x3FAE] =	sst s4  }
0xd: {  	[smem:$0x3FAF] =	sst s5  }
0xe: {  	[smem:$0x3FB0] =	sst s6  }
0xf: {  	[smem:$0x3FB1] =	sst s7  }
0x10: {  	[smem:$0x3FB2] =	sst s8  }
0x11: {  	[smem:$0x3FB3] =	sst s9;
	s0 =	simm.s32 @!p0 $0x0  }
0x12: {  	s1 =	sld [smem:$0x3F99];
	s0 =	simm.s32 @p0 $0x1  }
0x13: {  	[smem:$0x3FB4] =	sst s0;
	s0 =	simm.s32 @!p1 $0x0  }
0x14: {  	s2 =	sld [smem:$0x3F98];
	s0 =	simm.s32 @p1 $0x1  }
0x15: {  	[smem:$0x3FB5] =	sst s0;
	s0 =	simm.s32 @!p2 $0x0  }
0x16: {  	s3 =	sld [smem:$0x3FDB];
	s0 =	simm.s32 @p2 $0x1  }
0x17: {  	s4 =	simm.s32 $0x1BF5;
	[smem:$0x3FB7] =	sst s0  }
0x18: {  	s0 =	sld [smem:$0x3F9A];
	_ =	swait.ge [sflag:s4], $0x0  }
0x19: {  	s7 =	sld [smem:$0x3F9B]  }
0x1a: {  	s8 =	sadd.s32 $0xFFFFE003, lr  }
0x1b: {  	s9 =	sadd.s32 $0xFFFFFEF7, lr;
	s5 =	simm.s32 $0xFFFFFFFF;
	p2 =	slt.u32 s8, $0xFFFFF086  }
0x1c: {  	p1 =	slt.u32 s9, $0xF7A;
	s5 =	simm.s32 @!p2 $0x0  }
0x1d: {  	s5 =	simm.s32 @p1 $0x1;
	p0 =	seq.s32 s7, s2  }
0x1e: {  	s7 =	smul.u32 @!p0 $0xF7A, s2;
	p2 =	seq.s32 @!p0 s5, $0x0  }
0x1f: {  	s9 =	smul.u32 $0xF7A, s1;
	s8 =	simm.s32 @!p0 $0x1BF5;
	p2 =	por !p2, p0  }
0x20: {  	[sflag:s8] =	ssyncset.s32 @!p0 $0xFFFFF086;
	s6 =	sadd.s32 @!p0 s3, s7;
	s7 =	simm.s32 @!p0 $0x108  }
0x21: {  	s3 =	sadd.s32 s3, s9;
	s6 =	sadd.s32 @!p0 $0x88, s6;
	s7 =	simm.s32 @p2 $0x1082  }
0x22: {  	[simem:s7], [sflag:s8] =	dma.local @!p0 [hbm:s6], $0xF7A  }
0x23: {  	s9 =	sor.u32 $0xD0000000, s2;
	s6 =	simm.s32 $0x108;
	_ =	swait.ge @!p0 [sflag:s8], $0x0  }
0x24: {  	s3 =	sadd.s32 $0x88, s3;
	s6 =	simm.s32 @!p1 $0x1082;
	[sflag:s4] =	ssyncset.s32 $0xFFFFF086  }
0x25: {  	[simem:s6], [sflag:s4] =	dma.local [hbm:s3], $0xF7A  }
0x26: {  	[smem:$0x3F9B] =	sst s1;
	(tag) =	ssettag s2;
	_ =	strace s9  }
0x27: {  	s1 =	sld [smem:$0x3FAB]  }
0x28: {  	s2 =	sld [smem:$0x3FAC]  }
0x29: {  	s4 =	sld [smem:$0x3FAE]  }
0x2a: {  	p0 =	seq.s32 s5, $0x0;
	s5 =	sld [smem:$0x3FAF]  }
0x2b: {  	s6 =	sld [smem:$0x3FB0]  }
0x2c: {  	s7 =	sld [smem:$0x3FB1]  }
0x2d: {  	s3 =	simm.s32 $0x108;
	s8 =	sld [smem:$0x3FB2]  }
0x2e: {  	s3 =	simm.s32 @!p0 $0x1082;
	s9 =	sld [smem:$0x3FB3]  }
0x2f: {  	lr =	sadd.s32 s0, s3;
	s0 =	sld [smem:$0x3FAA]  }
0x30: {  	s3 =	sld [smem:$0x3FAD]  }
0x31: {  	[smem:$0x3FB6] =	sst s10  }
0x32: {  	s10 =	sld [smem:$0x3FB4];
	_ =	sdelay $0x3  }
0x33: {  	p0 =	seq.s32 s10, $0x1;
	s10 =	sld [smem:$0x3FB6];
	_ =	sdelay $0x3  }
0x34: {  	[smem:$0x3FB6] =	sst s10  }
0x35: {  	s10 =	sld [smem:$0x3FB5];
	_ =	sdelay $0x3  }
0x36: {  	p1 =	seq.s32 s10, $0x1;
	s10 =	sld [smem:$0x3FB6];
	_ =	sdelay $0x3  }
0x37: {  	[smem:$0x3FB6] =	sst s10  }
0x38: {  	s10 =	sld [smem:$0x3FB7]  }
0x39: {  	_ = 	snop;
	(pc) =	sbr.ind lr, $3  }
0x3a: {  	_ = 	snop  }
0x3b: {  	_ = 	snop  }
0x3c: {  	p2 =	seq.s32 s10, $0x1;
	s10 =	sld [smem:$0x3FB6]  }
0x3d: {  	_ =	shalt  }
0x3e: {  	_ =	shalt  }
0x3f: {  	_ =	shalt  }
0x40: {  	_ =	shalt  }
0x41: {  	_ =	shalt  }
0x42: {  	_ =	shalt  }
0x43: {  	_ =	shalt  }
0x44: {  	_ =	shalt  }
0x45: {  	_ =	shalt  }
0x46: {  	_ =	shalt  }
0x47: {  	_ =	shalt  }
0x48: {  	_ =	shalt  }
0x49: {  	_ =	shalt  }
0x4a: {  	_ =	shalt  }
0x4b: {  	_ =	shalt  }
0x4c: {  	_ =	shalt  }
0x4d: {  	_ =	shalt  }
0x4e: {  	_ =	shalt  }
0x4f: {  	_ =	shalt  }
0x50: {  	_ =	shalt  }
0x51: {  	_ =	shalt  }
0x52: {  	_ =	shalt  }
0x53: {  	_ =	shalt  }
0x54: {  	_ =	shalt  }
0x55: {  	_ =	shalt  }
0x56: {  	_ =	shalt  }
0x57: {  	_ =	shalt  }
0x58: {  	_ =	shalt  }
0x59: {  	_ =	shalt  }
0x5a: {  	_ =	shalt  }
0x5b: {  	_ =	shalt  }
0x5c: {  	_ =	shalt  }
0x5d: {  	_ =	shalt  }
0x5e: {  	_ =	shalt  }
0x5f: {  	_ =	shalt  }
0x60: {  	_ =	shalt  }
0x61: {  	_ =	shalt  }
0x62: {  	_ =	shalt  }
0x63: {  	_ =	shalt  }
0x64: {  	_ =	shalt  }
0x65: {  	_ =	shalt  }
0x66: {  	_ =	shalt  }
0x67: {  	_ =	shalt  }
0x68: {  	_ =	shalt  }
0x69: {  	_ =	shalt  }
0x6a: {  	_ =	shalt  }
0x6b: {  	_ =	shalt  }
0x6c: {  	_ =	shalt  }
0x6d: {  	_ =	shalt  }
0x6e: {  	_ =	shalt  }
0x6f: {  	_ =	shalt  }
0x70: {  	_ =	shalt  }
0x71: {  	_ =	shalt  }
0x72: {  	_ =	shalt  }
0x73: {  	_ =	shalt  }
0x74: {  	_ =	shalt  }
0x75: {  	_ =	shalt  }
0x76: {  	_ =	shalt  }
0x77: {  	_ =	shalt  }
0x78: {  	_ =	shalt  }
0x79: {  	_ =	shalt  }
0x7a: {  	_ =	shalt  }
0x7b: {  	_ =	shalt  }
0x7c: {  	_ =	shalt  }
0x7d: {  	_ =	shalt  }
0x7e: {  	_ =	shalt  }
0x7f: {  	_ =	shalt  }
0x80: {  	_ =	shalt  }
0x81: {  	_ =	shalt  }
0x82: {  	_ =	shalt  }
0x83: {  	_ =	shalt  }
0x84: {  	_ =	shalt  }
0x85: {  	_ =	shalt  }
0x86: {  	_ =	shalt  }
0x87: {  	_ =	shalt  }
.Lfunc_end0:
.L_simem_size_0:
called_computation_lowered:
.L_overlay_start_0:
0x88: {  	s2 =	sld [smem:$0x3FD9]  }
0x89: {  	s3 =	sld [smem:$0x3FFE];
	_ =	sdelay $0x1  }
0x8a: {  	s1 =	srdreg.scid  }
0x8b: {  	s0 =	sand.u32 $0x1, s1  }
0x8c: {  	s17 =	sshll.u32 s0, $0xA;
	s2 =	sadd.s32 s3, s2  }
0x8d: {  	s2 =	sadd.s32 s2, s17  }
0x8e: {  	[smem:$0x3FC2] =	sst s2  }
0x8f: {  	_ = 	snop  }
0x90: {  	s2 =	sld [smem:$0x3FC9];
	(tm) =	ssettm $0x1  }
0x91: {  	s18 =	sld [smem:$0x3FFB];
	_ =	sdelay $0x3  }
0x92: {  	_ =	strace s18  }
0x93: {  	s3 =	sld [smem:$0x3FFC];
	_ =	sdelay $0x3  }
0x94: {  	_ =	strace s3  }
0x95: {  	s3 =	sld [smem:$0x3FFD];
	_ =	sdelay $0x3  }
0x96: {  	_ =	strace s3  }
0x97: {  	_ =	strace $0x8FFFFFFF  }
0x98: {  	s19 =	sld [smem:$0x3FDB];
	_ =	sdelay $0x1  }
0x99: {  	s4 =	simm.s32 $_scs_section_size  }
0x9a: {  	s5 =	simm.s32 $_size__tile_overlayer_lowered;
	s6 =	simm.s32 $_tile_overlayer_lowered  }
0x9b: {  	s22 =	simm.s32 $0x1BFF;
	s21 =	sshll.u32 s6, $0x1;
	s3 =	sadd.s32 s4, s19  }
0x9c: {  	s7 =	simm.s32 $0x0;
	s20 =	sshll.u32 s5, $0x1;
	s5 =	sadd.s32 s21, s3  }
0x9d: {  	[timem:s7], [sflag:s22] =	dma.local [hbm:s5], s20  }
0x9e: {  	_ =	swait.ge [sflag:s22], s20  }
0x9f: {  	s4 =	ssub.s32 $0x0, s20;
	[sflag:s22] =	ssyncset.done $0x0  }
0xa0: {  	[sflag:s22] =	ssyncadd.s32 s4;
	_ =	sdelay $0x1  }
0xa1: {  	s23 =	simm.s32 $0x1B8B  }
0xa2: {  	_ =	swait.ge [sflag:s23], $0x1  }
0xa3: {  	[sflag:s23] =	ssyncset.done $0x0  }
0xa4: {  	s25 =	simm.s32 $0x1B8E;
	s24 =	sld [smem:$0x3FFE];
	[sflag:s23] =	ssyncadd.s32 $0xFFFFFFFF  }
0xa5: {  	s26 =	simm.s32 $execute0_lowered;
	[smem:$0x3FD2] =	sst s25  }
0xa6: {  	s5 =	sshll.u32 s26, $0x1;
	_ =	strace $0x80000046;
	[dreg:$0x1] =	wrdreg $0xFFFFFFFF  }
0xa7: {  	s28 =	simm.s32 $_size_execute0_lowered;
	s3 =	sadd.s32 s3, s5;
	[dreg:$0x0] =	wrdreg $0x0  }
0xa8: {  	s5 =	sshll.u32 s28, $0x1;
	[dreg:$0x2] =	wrdreg s3  }
0xa9: {  	[dreg:$0x3] =	wrdreg s5  }
0xaa: {  	[dreg:$0x4] =	wrdreg $0xC0  }
0xab: {  	_ =	task [dreg:s7], $0x5FFFF  }
0xac: {  	[dreg:$0x1] =	wrdreg $0xFFFFFFFF  }
0xad: {  	[dreg:$0x0] =	wrdreg $0x60  }
0xae: {  	[dreg:$0x2] =	wrdreg s2  }
0xaf: {  	[dreg:$0x3] =	wrdreg s24  }
0xb0: {  	[dreg:$0x4] =	wrdreg $0x9  }
0xb1: {  	_ =	task.clear_ibuf [dreg:s7], $0x5FFFF;
	_ =	strace $0x90000046  }
0xb2: {  	s29 =	simm.s32 $0x9;
	_ =	strace $0x80000048  }
0xb3: {  	_ =	swait.ge [sflag:s29], $0x1  }
0xb4: {  	[sflag:s29] =	ssyncadd.s32 $0xFFFFFFFF  }
0xb5: {  	_ =	strace $0x90000048  }
0xb6: {  	_ =	sfence  }
0xb7: {  	s30 =	sld [smem:$0x0];
	_ =	sdelay $0x2  }
0xb8: {  	s31 =	sshll.u32 s1, $0xD;
	s1 =	sshrl.u32 s1, $0x2  }
0xb9: {  	s3 =	sand.u32 $0x4000, s31;
	s1 =	sadd.s32 s1, s30  }
0xba: {  	s0 =	sor.u32 s3, s0;
	s1 =	sshll.u32 s1, $0x11  }
0xbb: {  	s0 =	sor.u32 s1, s0  }
0xbc: {  	s0 =	sadd.s32 $0x8F2B, s0  }
0xbd: {  	[sflag:s0] =	ssyncadd.remote.s32 $0x1  }
0xbe: {  	_ =	sfence.sel $0xFFFF  }
0xbf: {  	[dreg:$0x0] =	wrdreg $0xFFFFFFFF;
	(pc) =	sbr.abs _section_cstart, $3  }
0xc0: {  	[dreg:$0x1] =	wrdreg $0xFFFFFFFF  }
0xc1: {  	_ =	task.clear_ibuf [dreg:s7], $0x2FFFF;
	_ =	strace $0x9FFFFFFF  }
0xc2: {  	(tm) =	ssettm $0x7FFFFFFF  }
0xc3: {  	_ =	shalt  }
tec
execute0_lowered:
.L_overlay_start_1:
0x0: {  	(tag) =	ssettag $0x1  }
0x1: {  	s0 =	rddreg [dreg:$0x0]  }
0x2: {  	s1 =	rddreg [dreg:$0x1];
	s3 =	srdreg.scid  }
0x3: {  	s2 =	simm.s32 $0x0;
	s4 =	stileid.u32;
	s11 =	simm.s32 $0x1  }
0x4: {  	s12 =	simm.s32 $0x4;
	s10 =	simm.s32 $0x100;
	s9 =	simm.s32 $0xF900  }
0x5: {  	s28 =	simm.s32 $0x14500;
	s29 =	simm.s32 $0x14D00;
	s30 =	simm.s32 $0x15100  }
0x6: {  	s31 =	simm.s32 $0x15900;
	s3 =	sand.u32 $0x1, s3;
	[smem:$0x7FF] =	sst s2  }
0x7: {  	s4 =	sshll.u32 s4, $0x6;
	s5 =	sshll.u32 s3, $0x5;
	_ =	strace $0x80000047  }
0x8: {  	s6 =	ssub.s32 $0x2, s3;
	s3 =	sadd.s32 $0x400, s1;
	s4 =	sor.u32 s5, s4  }
0x9: {  	s14 =	sshrl.u32 s6, $0x1;
	s5 =	sadd.s32 $0x600, s1;
	s7 =	smul.u32 $0x380, s4  }
0xa: {  	s8 =	ssub.s32 s6, s14;
	s15 =	sadd.s32 s1, s4;
	s16 =	sor.u32 $0x8, s4  }
0xb: {  	s20 =	sor.u32 $0x10, s4;
	s24 =	sor.u32 $0x18, s4;
	s18 =	smul.u32 $0x380, s16  }
0xc: {  	s4 =	sadd.s32 $0x500, s1;
	[dreg:$0x3] =	wrdreg s15;
	s22 =	smul.u32 $0x380, s20  }
0xd: {  	s19 =	sadd.s32 s1, s16;
	s23 =	sadd.s32 s1, s20;
	s26 =	smul.u32 $0x380, s24  }
0xe: {  	s6 =	sadd.s32 s1, s24;
	s15 =	simm.s32 $0xFD00;
	[dreg:$0x5] =	wrdreg s19  }
0xf: {  	s16 =	simm.s32 $0x10500;
	s20 =	simm.s32 $0x12100;
	[dreg:$0x7] =	wrdreg s23  }
0x10: {  	s24 =	simm.s32 $0x13100;
	s17 =	sadd.s32 s0, s7;
	[dreg:$0x9] =	wrdreg s6  }
0x11: {  	s6 =	sadd.s32 $0x700, s1;
	s7 =	smax.u32 s8, $0x1;
	s8 =	simm.s32 $0xF100  }
0x12: {  	s19 =	simm.s32 $0x11900;
	s23 =	simm.s32 $0x12900;
	[dreg:$0x4] =	wrdreg s17  }
0x13: {  	s21 =	sadd.s32 s0, s18;
	s25 =	sadd.s32 s0, s22;
	s0 =	sadd.s32 s0, s26  }
0x14: {  	v2 =	vlaneseq.u32;
	s22 =	simm.s32 $0x2;
	s17 =	simm.s32 $0x10D00;
	[dreg:$0x6] =	wrdreg s21  }
0x15: {  	vm0 =	vmmov $0xffff;
	vm1 =	vmmov $0xff;
	v1 =	vshrl.u32 v2, $0x3;
	s18 =	simm.s32 $0x11500;
	s26 =	simm.s32 $0x13D00;
	[dreg:$0x8] =	wrdreg s25  }
0x16: {  	v0 =	vand.u32 $0x7, v2;
	v2 =	vor.u32 $0x8, v2;
	v1 =	vmul.u32 $0x8, v1;
	[dreg:$0xa] =	wrdreg s0;
	s21 =	simm.s32 $0xE100;
	s25 =	simm.s32 $0x13500  }
.LBB2_1:
0x17: {  	s13 =	rddreg [dreg:$0x3]  }
0x18: {  	[tilespmem:s2], [sflag:$0x1] =	stream.linear.gather [hbm4b:s13+s2], $0x40, $0x38;
	[tilespmem:$0x1C100] =	vst v63  }
0x19: {  	s14 =	rddreg [dreg:$0x4]  }
0x1a: {  	[tilespmem:s10], [sflag:$0x1] =	stream.linear.gather [hbm4b:s14+s2], $0xE000, $0x38;
	[tilespmem:$0x1C100] =	vst v63  }
0x1b: {  	s0 =	simm.s32 $0x80;
	s13 =	rddreg [dreg:$0x5]  }
0x1c: {  	[tilespmem:s0], [sflag:$0x2] =	stream.linear.gather [hbm4b:s13+s2], $0x40, $0x38;
	[tilespmem:$0x1C100] =	vst v63  }
0x1d: {  	s1 =	rddreg [dreg:$0x6]  }
0x1e: {  	[tilespmem:s21], [sflag:$0x2] =	stream.linear.gather [hbm4b:s1+s2], $0xE000, $0x38;
	[tilespmem:$0x1C100] =	vst v63  }
0x1f: {  	_ =	swait.ge [sflag:s11], $0x40  }
0x20: {  	[sflag:s11] =	ssyncset.done $0x0  }
0x21: {  	[sflag:s11] =	ssyncadd.s32 $0xFFFFFFC0  }
0x22: {  	_ =	swait.ge [sflag:s11], $0xE000  }
0x23: {  	[sflag:s11] =	ssyncset.done $0x0  }
0x24: {  	[sflag:s11] =	ssyncadd.s32 $0xFFFF2000  }
0x25: {  	v3 =	vld [tilespmem:$0x0];
	_ =	sdelay $0x4  }
0x26: {  	v4 =	vshrl.u32 v3, $0x3  }
0x27: {  	v4 =	vmul.u32 $0x38, v4  }
0x28: {  	v3 =	vand.u32 $0x7, v3  }
0x29: {  	v3 =	vor.u32 v3, v4  }
0x2a: {  	v4 =	vperm.xlane v3, v0;
	_ =	sdelay $0x1  }
0x2b: {  	v4 =	vadd.s32 v1, v4;
	_ =	sdelay $0x4  }
0x2c: {  	[hbm4b:s3+s2] =	stream.indirect_vreg.scatter [tilespmem:s10], [sflag:$0x3], $0x80, v4, vm0, $0xb8;
	[tilespmem:$0x1C100] =	vst v63  }
0x2d: {  	s13 =	simm.s32 $0x900;
	v3 =	vperm.xlane v3, v2  }
0x2e: {  	[hbm4b:s4+s2] =	stream.indirect_vreg.scatter [tilespmem:s13], [sflag:$0x3], $0x80, v4, vm0, $0xb8;
	[tilespmem:$0x1C100] =	vst v63  }
0x2f: {  	s14 =	simm.s32 $0x1100;
	v3 =	vadd.s32 v1, v3  }
0x30: {  	[hbm4b:s5+s2] =	stream.indirect_vreg.scatter [tilespmem:s14], [sflag:$0x3], $0x80, v4, vm0, $0xb8;
	[tilespmem:$0x1C100] =	vst v63  }
0x31: {  	s1 =	simm.s32 $0x1900  }
0x32: {  	[hbm4b:s6+s2] =	stream.indirect_vreg.scatter [tilespmem:s1], [sflag:$0x3], $0x80, v4, vm1, $0xb8;
	[tilespmem:$0x1C100] =	vst v63  }
0x33: {  	s13 =	simm.s32 $0x1D00  }
0x34: {  	[hbm4b:s3+s2] =	stream.indirect_vreg.scatter [tilespmem:s13], [sflag:$0x3], $0x80, v3, vm0, $0xb8;
	[tilespmem:$0x1C100] =	vst v63  }
0x35: {  	s14 =	simm.s32 $0x2500  }
0x36: {  	[hbm4b:s4+s2] =	stream.indirect_vreg.scatter [tilespmem:s14], [sflag:$0x3], $0x80, v3, vm0, $0xb8;
	[tilespmem:$0x1C100] =	vst v63  }
0x37: {  	s1 =	simm.s32 $0x2D00  }
0x38: {  	[hbm4b:s5+s2] =	stream.indirect_vreg.scatter [tilespmem:s1], [sflag:$0x3], $0x80, v3, vm0, $0xb8;
	[tilespmem:$0x1C100] =	vst v63  }
0x39: {  	s13 =	simm.s32 $0x3500  }
0x3a: {  	[hbm4b:s6+s2] =	stream.indirect_vreg.scatter [tilespmem:s13], [sflag:$0x3], $0x80, v3, vm1, $0xb8;
	[tilespmem:$0x1C100] =	vst v63  }
0x3b: {  	v3 =	vld [tilespmem:$0x10];
	_ =	sdelay $0x4  }
0x3c: {  	v49 =	vshrl.u32 v3, $0x3  }
0x3d: {  	v4 =	vmul.u32 $0x38, v49  }
0x3e: {  	v3 =	vand.u32 $0x7, v3  }
0x3f: {  	v3 =	vor.u32 v3, v4  }
0x40: {  	v4 =	vperm.xlane v3, v0;
	_ =	sdelay $0x1  }
0x41: {  	v4 =	vadd.s32 v1, v4;
	_ =	sdelay $0x3  }
0x42: {  	s14 =	simm.s32 $0x3900  }
0x43: {  	[hbm4b:s3+s2] =	stream.indirect_vreg.scatter [tilespmem:s14], [sflag:$0x3], $0x80, v4, vm0, $0xb8;
	[tilespmem:$0x1C100] =	vst v63  }
0x44: {  	s1 =	simm.s32 $0x4100;
	v3 =	vperm.xlane v3, v2  }
0x45: {  	[hbm4b:s4+s2] =	stream.indirect_vreg.scatter [tilespmem:s1], [sflag:$0x3], $0x80, v4, vm0, $0xb8;
	[tilespmem:$0x1C100] =	vst v63  }
0x46: {  	s13 =	simm.s32 $0x4900;
	v3 =	vadd.s32 v1, v3  }
0x47: {  	[hbm4b:s5+s2] =	stream.indirect_vreg.scatter [tilespmem:s13], [sflag:$0x3], $0x80, v4, vm0, $0xb8;
	[tilespmem:$0x1C100] =	vst v63  }
0x48: {  	s14 =	simm.s32 $0x5100  }
0x49: {  	[hbm4b:s6+s2] =	stream.indirect_vreg.scatter [tilespmem:s14], [sflag:$0x3], $0x80, v4, vm1, $0xb8;
	[tilespmem:$0x1C100] =	vst v63  }
0x4a: {  	s1 =	simm.s32 $0x5500  }
0x4b: {  	[hbm4b:s3+s2] =	stream.indirect_vreg.scatter [tilespmem:s1], [sflag:$0x3], $0x80, v3, vm0, $0xb8;
	[tilespmem:$0x1C100] =	vst v63  }
0x4c: {  	s13 =	simm.s32 $0x5D00  }
0x4d: {  	[hbm4b:s4+s2] =	stream.indirect_vreg.scatter [tilespmem:s13], [sflag:$0x3], $0x80, v3, vm0, $0xb8;
	[tilespmem:$0x1C100] =	vst v63  }
0x4e: {  	s14 =	simm.s32 $0x6500  }
0x4f: {  	[hbm4b:s5+s2] =	stream.indirect_vreg.scatter [tilespmem:s14], [sflag:$0x3], $0x80, v3, vm0, $0xb8;
	[tilespmem:$0x1C100] =	vst v63  }
0x50: {  	s1 =	simm.s32 $0x6D00  }
0x51: {  	[hbm4b:s6+s2] =	stream.indirect_vreg.scatter [tilespmem:s1], [sflag:$0x3], $0x80, v3, vm1, $0xb8;
	[tilespmem:$0x1C100] =	vst v63  }
0x52: {  	v3 =	vld [tilespmem:$0x20];
	_ =	sdelay $0x4  }
0x53: {  	v50 =	vshrl.u32 v3, $0x3  }
0x54: {  	v4 =	vmul.u32 $0x38, v50  }
0x55: {  	v3 =	vand.u32 $0x7, v3  }
0x56: {  	v3 =	vor.u32 v3, v4  }
0x57: {  	v4 =	vperm.xlane v3, v0;
	_ =	sdelay $0x1  }
0x58: {  	v4 =	vadd.s32 v1, v4;
	_ =	sdelay $0x3  }
0x59: {  	s13 =	simm.s32 $0x7100  }
0x5a: {  	[hbm4b:s3+s2] =	stream.indirect_vreg.scatter [tilespmem:s13], [sflag:$0x3], $0x80, v4, vm0, $0xb8;
	[tilespmem:$0x1C100] =	vst v63  }
0x5b: {  	s14 =	simm.s32 $0x7900;
	v3 =	vperm.xlane v3, v2  }
0x5c: {  	[hbm4b:s4+s2] =	stream.indirect_vreg.scatter [tilespmem:s14], [sflag:$0x3], $0x80, v4, vm0, $0xb8;
	[tilespmem:$0x1C100] =	vst v63  }
0x5d: {  	s1 =	simm.s32 $0x8100;
	v3 =	vadd.s32 v1, v3  }
0x5e: {  	[hbm4b:s5+s2] =	stream.indirect_vreg.scatter [tilespmem:s1], [sflag:$0x3], $0x80, v4, vm0, $0xb8;
	[tilespmem:$0x1C100] =	vst v63  }
0x5f: {  	s13 =	simm.s32 $0x8900  }
0x60: {  	[hbm4b:s6+s2] =	stream.indirect_vreg.scatter [tilespmem:s13], [sflag:$0x3], $0x80, v4, vm1, $0xb8;
	[tilespmem:$0x1C100] =	vst v63  }
0x61: {  	s14 =	simm.s32 $0x8D00  }
0x62: {  	[hbm4b:s3+s2] =	stream.indirect_vreg.scatter [tilespmem:s14], [sflag:$0x3], $0x80, v3, vm0, $0xb8;
	[tilespmem:$0x1C100] =	vst v63  }
0x63: {  	s1 =	simm.s32 $0x9500  }
0x64: {  	[hbm4b:s4+s2] =	stream.indirect_vreg.scatter [tilespmem:s1], [sflag:$0x3], $0x80, v3, vm0, $0xb8;
	[tilespmem:$0x1C100] =	vst v63  }
0x65: {  	s13 =	simm.s32 $0x9D00  }
0x66: {  	[hbm4b:s5+s2] =	stream.indirect_vreg.scatter [tilespmem:s13], [sflag:$0x3], $0x80, v3, vm0, $0xb8;
	[tilespmem:$0x1C100] =	vst v63  }
0x67: {  	s14 =	simm.s32 $0xA500  }
0x68: {  	[hbm4b:s6+s2] =	stream.indirect_vreg.scatter [tilespmem:s14], [sflag:$0x3], $0x80, v3, vm1, $0xb8;
	[tilespmem:$0x1C100] =	vst v63  }
0x69: {  	v3 =	vld [tilespmem:$0x30];
	_ =	sdelay $0x4  }
0x6a: {  	v51 =	vshrl.u32 v3, $0x3  }
0x6b: {  	v4 =	vmul.u32 $0x38, v51  }
0x6c: {  	v3 =	vand.u32 $0x7, v3  }
0x6d: {  	v3 =	vor.u32 v3, v4  }
0x6e: {  	v4 =	vperm.xlane v3, v0;
	_ =	sdelay $0x1  }
0x6f: {  	v4 =	vadd.s32 v1, v4;
	_ =	sdelay $0x3  }
0x70: {  	s1 =	simm.s32 $0xA900  }
0x71: {  	[hbm4b:s3+s2] =	stream.indirect_vreg.scatter [tilespmem:s1], [sflag:$0x3], $0x80, v4, vm0, $0xb8;
	[tilespmem:$0x1C100] =	vst v63  }
0x72: {  	s13 =	simm.s32 $0xB100;
	v3 =	vperm.xlane v3, v2  }
0x73: {  	[hbm4b:s4+s2] =	stream.indirect_vreg.scatter [tilespmem:s13], [sflag:$0x3], $0x80, v4, vm0, $0xb8;
	[tilespmem:$0x1C100] =	vst v63  }
0x74: {  	s14 =	simm.s32 $0xB900;
	v3 =	vadd.s32 v1, v3  }
0x75: {  	[hbm4b:s5+s2] =	stream.indirect_vreg.scatter [tilespmem:s14], [sflag:$0x3], $0x80, v4, vm0, $0xb8;
	[tilespmem:$0x1C100] =	vst v63  }
0x76: {  	s1 =	simm.s32 $0xC100  }
0x77: {  	[hbm4b:s6+s2] =	stream.indirect_vreg.scatter [tilespmem:s1], [sflag:$0x3], $0x80, v4, vm1, $0xb8;
	[tilespmem:$0x1C100] =	vst v63  }
0x78: {  	s13 =	simm.s32 $0xC500  }
0x79: {  	[hbm4b:s3+s2] =	stream.indirect_vreg.scatter [tilespmem:s13], [sflag:$0x3], $0x80, v3, vm0, $0xb8;
	[tilespmem:$0x1C100] =	vst v63  }
0x7a: {  	s14 =	simm.s32 $0xCD00  }
0x7b: {  	[hbm4b:s4+s2] =	stream.indirect_vreg.scatter [tilespmem:s14], [sflag:$0x3], $0x80, v3, vm0, $0xb8;
	[tilespmem:$0x1C100] =	vst v63  }
0x7c: {  	s1 =	simm.s32 $0xD500  }
0x7d: {  	[hbm4b:s5+s2] =	stream.indirect_vreg.scatter [tilespmem:s1], [sflag:$0x3], $0x80, v3, vm0, $0xb8;
	[tilespmem:$0x1C100] =	vst v63  }
0x7e: {  	s0 =	simm.s32 $0x3;
	s13 =	simm.s32 $0xDD00  }
0x7f: {  	[hbm4b:s6+s2] =	stream.indirect_vreg.scatter [tilespmem:s13], [sflag:$0x3], $0x80, v3, vm1, $0xb8;
	[tilespmem:$0x1C100] =	vst v63  }
0x80: {  	_ =	swait.ge [sflag:s0], $0xE000  }
0x81: {  	[sflag:s0] =	ssyncset.done $0x0  }
0x82: {  	s14 =	rddreg [dreg:$0x7];
	[sflag:s0] =	ssyncadd.s32 $0xFFFF2000  }
0x83: {  	[tilespmem:s2], [sflag:$0x1] =	stream.linear.gather [hbm4b:s14+s2], $0x40, $0x38;
	[tilespmem:$0x1C100] =	vst v63  }
0x84: {  	s1 =	rddreg [dreg:$0x8]  }
0x85: {  	[tilespmem:s10], [sflag:$0x1] =	stream.linear.gather [hbm4b:s1+s2], $0xE000, $0x38;
	[tilespmem:$0x1C100] =	vst v63  }
0x86: {  	_ =	swait.ge [sflag:s22], $0x40  }
0x87: {  	[sflag:s22] =	ssyncset.done $0x0  }
0x88: {  	[sflag:s22] =	ssyncadd.s32 $0xFFFFFFC0  }
0x89: {  	_ =	swait.ge [sflag:s22], $0xE000  }
0x8a: {  	[sflag:s22] =	ssyncset.done $0x0  }
0x8b: {  	[sflag:s22] =	ssyncadd.s32 $0xFFFF2000  }
0x8c: {  	v3 =	vld [tilespmem:$0x80];
	_ =	sdelay $0x4  }
0x8d: {  	v52 =	vshrl.u32 v3, $0x3  }
0x8e: {  	v4 =	vmul.u32 $0x38, v52  }
0x8f: {  	v3 =	vand.u32 $0x7, v3  }
0x90: {  	v3 =	vor.u32 v3, v4  }
0x91: {  	v4 =	vperm.xlane v3, v0;
	_ =	sdelay $0x1  }
0x92: {  	v4 =	vadd.s32 v1, v4;
	_ =	sdelay $0x4  }
0x93: {  	[hbm4b:s3+s2] =	stream.indirect_vreg.scatter [tilespmem:s21], [sflag:$0x4], $0x80, v4, vm0, $0xb8;
	[tilespmem:$0x1C100] =	vst v63  }
0x94: {  	s1 =	simm.s32 $0xE900;
	v3 =	vperm.xlane v3, v2  }
0x95: {  	[hbm4b:s4+s2] =	stream.indirect_vreg.scatter [tilespmem:s1], [sflag:$0x4], $0x80, v4, vm0, $0xb8;
	[tilespmem:$0x1C100] =	vst v63  }
0x96: {  	v3 =	vadd.s32 v1, v3  }
0x97: {  	[hbm4b:s5+s2] =	stream.indirect_vreg.scatter [tilespmem:s8], [sflag:$0x4], $0x80, v4, vm0, $0xb8;
	[tilespmem:$0x1C100] =	vst v63  }
0x98: {  	_ = 	snop  }
0x99: {  	[hbm4b:s6+s2] =	stream.indirect_vreg.scatter [tilespmem:s9], [sflag:$0x4], $0x80, v4, vm1, $0xb8;
	[tilespmem:$0x1C100] =	vst v63  }
0x9a: {  	_ = 	snop  }
0x9b: {  	[hbm4b:s3+s2] =	stream.indirect_vreg.scatter [tilespmem:s15], [sflag:$0x4], $0x80, v3, vm0, $0xb8;
	[tilespmem:$0x1C100] =	vst v63  }
0x9c: {  	_ = 	snop  }
0x9d: {  	[hbm4b:s4+s2] =	stream.indirect_vreg.scatter [tilespmem:s16], [sflag:$0x4], $0x80, v3, vm0, $0xb8;
	[tilespmem:$0x1C100] =	vst v63  }
0x9e: {  	_ = 	snop  }
0x9f: {  	[hbm4b:s5+s2] =	stream.indirect_vreg.scatter [tilespmem:s17], [sflag:$0x4], $0x80, v3, vm0, $0xb8;
	[tilespmem:$0x1C100] =	vst v63  }
0xa0: {  	_ = 	snop  }
0xa1: {  	[hbm4b:s6+s2] =	stream.indirect_vreg.scatter [tilespmem:s18], [sflag:$0x4], $0x80, v3, vm1, $0xb8;
	[tilespmem:$0x1C100] =	vst v63  }
0xa2: {  	v3 =	vld [tilespmem:$0x90];
	_ =	sdelay $0x4  }
0xa3: {  	v53 =	vshrl.u32 v3, $0x3  }
0xa4: {  	v4 =	vmul.u32 $0x38, v53  }
0xa5: {  	v3 =	vand.u32 $0x7, v3  }
0xa6: {  	v3 =	vor.u32 v3, v4  }
0xa7: {  	v4 =	vperm.xlane v3, v0;
	_ =	sdelay $0x1  }
0xa8: {  	v4 =	vadd.s32 v1, v4;
	_ =	sdelay $0x4  }
0xa9: {  	[hbm4b:s3+s2] =	stream.indirect_vreg.scatter [tilespmem:s19], [sflag:$0x4], $0x80, v4, vm0, $0xb8;
	[tilespmem:$0x1C100] =	vst v63  }
0xaa: {  	v3 =	vperm.xlane v3, v2  }
0xab: {  	[hbm4b:s4+s2] =	stream.indirect_vreg.scatter [tilespmem:s20], [sflag:$0x4], $0x80, v4, vm0, $0xb8;
	[tilespmem:$0x1C100] =	vst v63  }
0xac: {  	v3 =	vadd.s32 v1, v3  }
0xad: {  	[hbm4b:s5+s2] =	stream.indirect_vreg.scatter [tilespmem:s23], [sflag:$0x4], $0x80, v4, vm0, $0xb8;
	[tilespmem:$0x1C100] =	vst v63  }
0xae: {  	_ = 	snop  }
0xaf: {  	[hbm4b:s6+s2] =	stream.indirect_vreg.scatter [tilespmem:s24], [sflag:$0x4], $0x80, v4, vm1, $0xb8;
	[tilespmem:$0x1C100] =	vst v63  }
0xb0: {  	_ = 	snop  }
0xb1: {  	[hbm4b:s3+s2] =	stream.indirect_vreg.scatter [tilespmem:s25], [sflag:$0x4], $0x80, v3, vm0, $0xb8;
	[tilespmem:$0x1C100] =	vst v63  }
0xb2: {  	_ = 	snop  }
0xb3: {  	[hbm4b:s4+s2] =	stream.indirect_vreg.scatter [tilespmem:s26], [sflag:$0x4], $0x80, v3, vm0, $0xb8;
	[tilespmem:$0x1C100] =	vst v63  }
0xb4: {  	_ = 	snop  }
0xb5: {  	[hbm4b:s5+s2] =	stream.indirect_vreg.scatter [tilespmem:s28], [sflag:$0x4], $0x80, v3, vm0, $0xb8;
	[tilespmem:$0x1C100] =	vst v63  }
0xb6: {  	_ = 	snop  }
0xb7: {  	[hbm4b:s6+s2] =	stream.indirect_vreg.scatter [tilespmem:s29], [sflag:$0x4], $0x80, v3, vm1, $0xb8;
	[tilespmem:$0x1C100] =	vst v63  }
0xb8: {  	v3 =	vld [tilespmem:$0xA0];
	_ =	sdelay $0x4  }
0xb9: {  	v54 =	vshrl.u32 v3, $0x3  }
0xba: {  	v4 =	vmul.u32 $0x38, v54  }
0xbb: {  	v3 =	vand.u32 $0x7, v3  }
0xbc: {  	v3 =	vor.u32 v3, v4  }
0xbd: {  	v4 =	vperm.xlane v3, v0;
	_ =	sdelay $0x1  }
0xbe: {  	v4 =	vadd.s32 v1, v4;
	_ =	sdelay $0x4  }
0xbf: {  	[hbm4b:s3+s2] =	stream.indirect_vreg.scatter [tilespmem:s30], [sflag:$0x4], $0x80, v4, vm0, $0xb8;
	[tilespmem:$0x1C100] =	vst v63  }
0xc0: {  	v3 =	vperm.xlane v3, v2  }
0xc1: {  	[hbm4b:s4+s2] =	stream.indirect_vreg.scatter [tilespmem:s31], [sflag:$0x4], $0x80, v4, vm0, $0xb8;
	[tilespmem:$0x1C100] =	vst v63  }
0xc2: {  	s14 =	simm.s32 $0x16100;
	v3 =	vadd.s32 v1, v3  }
0xc3: {  	[hbm4b:s5+s2] =	stream.indirect_vreg.scatter [tilespmem:s14], [sflag:$0x4], $0x80, v4, vm0, $0xb8;
	[tilespmem:$0x1C100] =	vst v63  }
0xc4: {  	s13 =	simm.s32 $0x16900  }
0xc5: {  	[hbm4b:s6+s2] =	stream.indirect_vreg.scatter [tilespmem:s13], [sflag:$0x4], $0x80, v4, vm1, $0xb8;
	[tilespmem:$0x1C100] =	vst v63  }
0xc6: {  	s14 =	simm.s32 $0x16D00  }
0xc7: {  	[hbm4b:s3+s2] =	stream.indirect_vreg.scatter [tilespmem:s14], [sflag:$0x4], $0x80, v3, vm0, $0xb8;
	[tilespmem:$0x1C100] =	vst v63  }
0xc8: {  	s13 =	simm.s32 $0x17500  }
0xc9: {  	[hbm4b:s4+s2] =	stream.indirect_vreg.scatter [tilespmem:s13], [sflag:$0x4], $0x80, v3, vm0, $0xb8;
	[tilespmem:$0x1C100] =	vst v63  }
0xca: {  	s14 =	simm.s32 $0x17D00  }
0xcb: {  	[hbm4b:s5+s2] =	stream.indirect_vreg.scatter [tilespmem:s14], [sflag:$0x4], $0x80, v3, vm0, $0xb8;
	[tilespmem:$0x1C100] =	vst v63  }
0xcc: {  	s13 =	simm.s32 $0x18500  }
0xcd: {  	[hbm4b:s6+s2] =	stream.indirect_vreg.scatter [tilespmem:s13], [sflag:$0x4], $0x80, v3, vm1, $0xb8;
	[tilespmem:$0x1C100] =	vst v63  }
0xce: {  	v3 =	vld [tilespmem:$0xB0];
	_ =	sdelay $0x4  }
0xcf: {  	v55 =	vshrl.u32 v3, $0x3  }
0xd0: {  	v4 =	vmul.u32 $0x38, v55  }
0xd1: {  	v3 =	vand.u32 $0x7, v3  }
0xd2: {  	v3 =	vor.u32 v3, v4  }
0xd3: {  	v4 =	vperm.xlane v3, v0;
	_ =	sdelay $0x1  }
0xd4: {  	v4 =	vadd.s32 v1, v4;
	_ =	sdelay $0x3  }
0xd5: {  	s14 =	simm.s32 $0x18900  }
0xd6: {  	[hbm4b:s3+s2] =	stream.indirect_vreg.scatter [tilespmem:s14], [sflag:$0x4], $0x80, v4, vm0, $0xb8;
	[tilespmem:$0x1C100] =	vst v63  }
0xd7: {  	s13 =	simm.s32 $0x19100;
	v3 =	vperm.xlane v3, v2  }
0xd8: {  	[hbm4b:s4+s2] =	stream.indirect_vreg.scatter [tilespmem:s13], [sflag:$0x4], $0x80, v4, vm0, $0xb8;
	[tilespmem:$0x1C100] =	vst v63  }
0xd9: {  	v3 =	vadd.s32 v1, v3;
	s14 =	simm.s32 $0x19900  }
0xda: {  	[hbm4b:s5+s2] =	stream.indirect_vreg.scatter [tilespmem:s14], [sflag:$0x4], $0x80, v4, vm0, $0xb8;
	[tilespmem:$0x1C100] =	vst v63  }
0xdb: {  	s13 =	simm.s32 $0x1A100  }
0xdc: {  	[hbm4b:s6+s2] =	stream.indirect_vreg.scatter [tilespmem:s13], [sflag:$0x4], $0x80, v4, vm1, $0xb8;
	[tilespmem:$0x1C100] =	vst v63  }
0xdd: {  	s14 =	simm.s32 $0x1A500  }
0xde: {  	[hbm4b:s3+s2] =	stream.indirect_vreg.scatter [tilespmem:s14], [sflag:$0x4], $0x80, v3, vm0, $0xb8;
	[tilespmem:$0x1C100] =	vst v63  }
0xdf: {  	s13 =	simm.s32 $0x1AD00  }
0xe0: {  	[hbm4b:s4+s2] =	stream.indirect_vreg.scatter [tilespmem:s13], [sflag:$0x4], $0x80, v3, vm0, $0xb8;
	[tilespmem:$0x1C100] =	vst v63  }
0xe1: {  	s14 =	simm.s32 $0x1B500  }
0xe2: {  	[hbm4b:s5+s2] =	stream.indirect_vreg.scatter [tilespmem:s14], [sflag:$0x4], $0x80, v3, vm0, $0xb8;
	[tilespmem:$0x1C100] =	vst v63  }
0xe3: {  	s13 =	simm.s32 $0x1BD00  }
0xe4: {  	[hbm4b:s6+s2] =	stream.indirect_vreg.scatter [tilespmem:s13], [sflag:$0x4], $0x80, v3, vm1, $0xb8;
	[tilespmem:$0x1C100] =	vst v63  }
0xe5: {  	_ =	swait.ge [sflag:s12], $0xE000  }
0xe6: {  	[sflag:s12] =	ssyncset.done $0x0  }
0xe7: {  	s1 =	simm.s32 $0x80;
	s13 =	rddreg [dreg:$0x9];
	[sflag:s12] =	ssyncadd.s32 $0xFFFF2000  }
0xe8: {  	[tilespmem:s1], [sflag:$0x2] =	stream.linear.gather [hbm4b:s13+s2], $0x40, $0x38;
	[tilespmem:$0x1C100] =	vst v63  }
0xe9: {  	s14 =	rddreg [dreg:$0xa]  }
0xea: {  	[tilespmem:s21], [sflag:$0x2] =	stream.linear.gather [hbm4b:s14+s2], $0xE000, $0x38;
	[tilespmem:$0x1C100] =	vst v63  }
0xeb: {  	_ =	swait.ge [sflag:s11], $0x40  }
0xec: {  	[sflag:s11] =	ssyncset.done $0x0  }
0xed: {  	[sflag:s11] =	ssyncadd.s32 $0xFFFFFFC0  }
0xee: {  	_ =	swait.ge [sflag:s11], $0xE000  }
0xef: {  	[sflag:s11] =	ssyncset.done $0x0  }
0xf0: {  	[sflag:s11] =	ssyncadd.s32 $0xFFFF2000  }
0xf1: {  	v3 =	vld [tilespmem:$0x0];
	_ =	sdelay $0x4  }
0xf2: {  	v56 =	vshrl.u32 v3, $0x3  }
0xf3: {  	v4 =	vmul.u32 $0x38, v56  }
0xf4: {  	v3 =	vand.u32 $0x7, v3  }
0xf5: {  	v3 =	vor.u32 v3, v4  }
0xf6: {  	v4 =	vperm.xlane v3, v0;
	_ =	sdelay $0x1  }
0xf7: {  	v4 =	vadd.s32 v1, v4;
	_ =	sdelay $0x4  }
0xf8: {  	[hbm4b:s3+s2] =	stream.indirect_vreg.scatter [tilespmem:s10], [sflag:$0x3], $0x80, v4, vm0, $0xb8;
	[tilespmem:$0x1C100] =	vst v63  }
0xf9: {  	s14 =	simm.s32 $0x900;
	v3 =	vperm.xlane v3, v2  }
0xfa: {  	[hbm4b:s4+s2] =	stream.indirect_vreg.scatter [tilespmem:s14], [sflag:$0x3], $0x80, v4, vm0, $0xb8;
	[tilespmem:$0x1C100] =	vst v63  }
0xfb: {  	s13 =	simm.s32 $0x1100;
	v3 =	vadd.s32 v1, v3  }
0xfc: {  	[hbm4b:s5+s2] =	stream.indirect_vreg.scatter [tilespmem:s13], [sflag:$0x3], $0x80, v4, vm0, $0xb8;
	[tilespmem:$0x1C100] =	vst v63  }
0xfd: {  	s14 =	simm.s32 $0x1900  }
0xfe: {  	[hbm4b:s6+s2] =	stream.indirect_vreg.scatter [tilespmem:s14], [sflag:$0x3], $0x80, v4, vm1, $0xb8;
	[tilespmem:$0x1C100] =	vst v63  }
0xff: {  	s13 =	simm.s32 $0x1D00  }
0x100: {  	[hbm4b:s3+s2] =	stream.indirect_vreg.scatter [tilespmem:s13], [sflag:$0x3], $0x80, v3, vm0, $0xb8;
	[tilespmem:$0x1C100] =	vst v63  }
0x101: {  	s14 =	simm.s32 $0x2500  }
0x102: {  	[hbm4b:s4+s2] =	stream.indirect_vreg.scatter [tilespmem:s14], [sflag:$0x3], $0x80, v3, vm0, $0xb8;
	[tilespmem:$0x1C100] =	vst v63  }
0x103: {  	s13 =	simm.s32 $0x2D00  }
0x104: {  	[hbm4b:s5+s2] =	stream.indirect_vreg.scatter [tilespmem:s13], [sflag:$0x3], $0x80, v3, vm0, $0xb8;
	[tilespmem:$0x1C100] =	vst v63  }
0x105: {  	s14 =	simm.s32 $0x3500  }
0x106: {  	[hbm4b:s6+s2] =	stream.indirect_vreg.scatter [tilespmem:s14], [sflag:$0x3], $0x80, v3, vm1, $0xb8;
	[tilespmem:$0x1C100] =	vst v63  }
0x107: {  	v3 =	vld [tilespmem:$0x10];
	_ =	sdelay $0x4  }
0x108: {  	v57 =	vshrl.u32 v3, $0x3  }
0x109: {  	v4 =	vmul.u32 $0x38, v57  }
0x10a: {  	v3 =	vand.u32 $0x7, v3  }
0x10b: {  	v3 =	vor.u32 v3, v4  }
0x10c: {  	v4 =	vperm.xlane v3, v0;
	_ =	sdelay $0x1  }
0x10d: {  	v4 =	vadd.s32 v1, v4;
	_ =	sdelay $0x3  }
0x10e: {  	s13 =	simm.s32 $0x3900  }
0x10f: {  	[hbm4b:s3+s2] =	stream.indirect_vreg.scatter [tilespmem:s13], [sflag:$0x3], $0x80, v4, vm0, $0xb8;
	[tilespmem:$0x1C100] =	vst v63  }
0x110: {  	s14 =	simm.s32 $0x4100;
	v3 =	vperm.xlane v3, v2  }
0x111: {  	[hbm4b:s4+s2] =	stream.indirect_vreg.scatter [tilespmem:s14], [sflag:$0x3], $0x80, v4, vm0, $0xb8;
	[tilespmem:$0x1C100] =	vst v63  }
0x112: {  	v3 =	vadd.s32 v1, v3;
	s13 =	simm.s32 $0x4900  }
0x113: {  	[hbm4b:s5+s2] =	stream.indirect_vreg.scatter [tilespmem:s13], [sflag:$0x3], $0x80, v4, vm0, $0xb8;
	[tilespmem:$0x1C100] =	vst v63  }
0x114: {  	s14 =	simm.s32 $0x5100  }
0x115: {  	[hbm4b:s6+s2] =	stream.indirect_vreg.scatter [tilespmem:s14], [sflag:$0x3], $0x80, v4, vm1, $0xb8;
	[tilespmem:$0x1C100] =	vst v63  }
0x116: {  	s13 =	simm.s32 $0x5500  }
0x117: {  	[hbm4b:s3+s2] =	stream.indirect_vreg.scatter [tilespmem:s13], [sflag:$0x3], $0x80, v3, vm0, $0xb8;
	[tilespmem:$0x1C100] =	vst v63  }
0x118: {  	s14 =	simm.s32 $0x5D00  }
0x119: {  	[hbm4b:s4+s2] =	stream.indirect_vreg.scatter [tilespmem:s14], [sflag:$0x3], $0x80, v3, vm0, $0xb8;
	[tilespmem:$0x1C100] =	vst v63  }
0x11a: {  	s13 =	simm.s32 $0x6500  }
0x11b: {  	[hbm4b:s5+s2] =	stream.indirect_vreg.scatter [tilespmem:s13], [sflag:$0x3], $0x80, v3, vm0, $0xb8;
	[tilespmem:$0x1C100] =	vst v63  }
0x11c: {  	s14 =	simm.s32 $0x6D00  }
0x11d: {  	[hbm4b:s6+s2] =	stream.indirect_vreg.scatter [tilespmem:s14], [sflag:$0x3], $0x80, v3, vm1, $0xb8;
	[tilespmem:$0x1C100] =	vst v63  }
0x11e: {  	v3 =	vld [tilespmem:$0x20];
	_ =	sdelay $0x4  }
0x11f: {  	v58 =	vshrl.u32 v3, $0x3  }
0x120: {  	v4 =	vmul.u32 $0x38, v58  }
0x121: {  	v3 =	vand.u32 $0x7, v3  }
0x122: {  	v3 =	vor.u32 v3, v4  }
0x123: {  	v4 =	vperm.xlane v3, v0;
	_ =	sdelay $0x1  }
0x124: {  	v4 =	vadd.s32 v1, v4;
	_ =	sdelay $0x3  }
0x125: {  	s13 =	simm.s32 $0x7100  }
0x126: {  	[hbm4b:s3+s2] =	stream.indirect_vreg.scatter [tilespmem:s13], [sflag:$0x3], $0x80, v4, vm0, $0xb8;
	[tilespmem:$0x1C100] =	vst v63  }
0x127: {  	s14 =	simm.s32 $0x7900;
	v3 =	vperm.xlane v3, v2  }
0x128: {  	[hbm4b:s4+s2] =	stream.indirect_vreg.scatter [tilespmem:s14], [sflag:$0x3], $0x80, v4, vm0, $0xb8;
	[tilespmem:$0x1C100] =	vst v63  }
0x129: {  	v3 =	vadd.s32 v1, v3;
	s13 =	simm.s32 $0x8100  }
0x12a: {  	[hbm4b:s5+s2] =	stream.indirect_vreg.scatter [tilespmem:s13], [sflag:$0x3], $0x80, v4, vm0, $0xb8;
	[tilespmem:$0x1C100] =	vst v63  }
0x12b: {  	s14 =	simm.s32 $0x8900  }
0x12c: {  	[hbm4b:s6+s2] =	stream.indirect_vreg.scatter [tilespmem:s14], [sflag:$0x3], $0x80, v4, vm1, $0xb8;
	[tilespmem:$0x1C100] =	vst v63  }
0x12d: {  	s13 =	simm.s32 $0x8D00  }
0x12e: {  	[hbm4b:s3+s2] =	stream.indirect_vreg.scatter [tilespmem:s13], [sflag:$0x3], $0x80, v3, vm0, $0xb8;
	[tilespmem:$0x1C100] =	vst v63  }
0x12f: {  	s14 =	simm.s32 $0x9500  }
0x130: {  	[hbm4b:s4+s2] =	stream.indirect_vreg.scatter [tilespmem:s14], [sflag:$0x3], $0x80, v3, vm0, $0xb8;
	[tilespmem:$0x1C100] =	vst v63  }
0x131: {  	s13 =	simm.s32 $0x9D00  }
0x132: {  	[hbm4b:s5+s2] =	stream.indirect_vreg.scatter [tilespmem:s13], [sflag:$0x3], $0x80, v3, vm0, $0xb8;
	[tilespmem:$0x1C100] =	vst v63  }
0x133: {  	s14 =	simm.s32 $0xA500  }
0x134: {  	[hbm4b:s6+s2] =	stream.indirect_vreg.scatter [tilespmem:s14], [sflag:$0x3], $0x80, v3, vm1, $0xb8;
	[tilespmem:$0x1C100] =	vst v63  }
0x135: {  	v3 =	vld [tilespmem:$0x30];
	_ =	sdelay $0x4  }
0x136: {  	v59 =	vshrl.u32 v3, $0x3  }
0x137: {  	v4 =	vmul.u32 $0x38, v59  }
0x138: {  	v3 =	vand.u32 $0x7, v3  }
0x139: {  	v3 =	vor.u32 v3, v4  }
0x13a: {  	v4 =	vperm.xlane v3, v0;
	_ =	sdelay $0x1  }
0x13b: {  	v4 =	vadd.s32 v1, v4;
	_ =	sdelay $0x3  }
0x13c: {  	s13 =	simm.s32 $0xA900  }
0x13d: {  	[hbm4b:s3+s2] =	stream.indirect_vreg.scatter [tilespmem:s13], [sflag:$0x3], $0x80, v4, vm0, $0xb8;
	[tilespmem:$0x1C100] =	vst v63  }
0x13e: {  	s14 =	simm.s32 $0xB100;
	v3 =	vperm.xlane v3, v2  }
0x13f: {  	[hbm4b:s4+s2] =	stream.indirect_vreg.scatter [tilespmem:s14], [sflag:$0x3], $0x80, v4, vm0, $0xb8;
	[tilespmem:$0x1C100] =	vst v63  }
0x140: {  	v3 =	vadd.s32 v1, v3;
	s13 =	simm.s32 $0xB900  }
0x141: {  	[hbm4b:s5+s2] =	stream.indirect_vreg.scatter [tilespmem:s13], [sflag:$0x3], $0x80, v4, vm0, $0xb8;
	[tilespmem:$0x1C100] =	vst v63  }
0x142: {  	s14 =	simm.s32 $0xC100  }
0x143: {  	[hbm4b:s6+s2] =	stream.indirect_vreg.scatter [tilespmem:s14], [sflag:$0x3], $0x80, v4, vm1, $0xb8;
	[tilespmem:$0x1C100] =	vst v63  }
0x144: {  	s13 =	simm.s32 $0xC500  }
0x145: {  	[hbm4b:s3+s2] =	stream.indirect_vreg.scatter [tilespmem:s13], [sflag:$0x3], $0x80, v3, vm0, $0xb8;
	[tilespmem:$0x1C100] =	vst v63  }
0x146: {  	s14 =	simm.s32 $0xCD00  }
0x147: {  	[hbm4b:s4+s2] =	stream.indirect_vreg.scatter [tilespmem:s14], [sflag:$0x3], $0x80, v3, vm0, $0xb8;
	[tilespmem:$0x1C100] =	vst v63  }
0x148: {  	s13 =	simm.s32 $0xD500  }
0x149: {  	[hbm4b:s5+s2] =	stream.indirect_vreg.scatter [tilespmem:s13], [sflag:$0x3], $0x80, v3, vm0, $0xb8;
	[tilespmem:$0x1C100] =	vst v63  }
0x14a: {  	s14 =	simm.s32 $0xDD00  }
0x14b: {  	[hbm4b:s6+s2] =	stream.indirect_vreg.scatter [tilespmem:s14], [sflag:$0x3], $0x80, v3, vm1, $0xb8;
	[tilespmem:$0x1C100] =	vst v63  }
0x14c: {  	_ =	swait.ge [sflag:s0], $0xE000  }
0x14d: {  	[sflag:s0] =	ssyncset.done $0x0  }
0x14e: {  	[sflag:s0] =	ssyncadd.s32 $0xFFFF2000  }
0x14f: {  	_ =	swait.ge [sflag:s22], $0x40  }
0x150: {  	[sflag:s22] =	ssyncset.done $0x0  }
0x151: {  	[sflag:s22] =	ssyncadd.s32 $0xFFFFFFC0  }
0x152: {  	_ =	swait.ge [sflag:s22], $0xE000  }
0x153: {  	[sflag:s22] =	ssyncset.done $0x0  }
0x154: {  	[sflag:s22] =	ssyncadd.s32 $0xFFFF2000  }
0x155: {  	v3 =	vld [tilespmem:$0x80];
	_ =	sdelay $0x4  }
0x156: {  	v60 =	vshrl.u32 v3, $0x3  }
0x157: {  	v4 =	vmul.u32 $0x38, v60  }
0x158: {  	v3 =	vand.u32 $0x7, v3  }
0x159: {  	v3 =	vor.u32 v3, v4  }
0x15a: {  	v4 =	vperm.xlane v3, v0;
	_ =	sdelay $0x1  }
0x15b: {  	v4 =	vadd.s32 v1, v4;
	_ =	sdelay $0x4  }
0x15c: {  	[hbm4b:s3+s2] =	stream.indirect_vreg.scatter [tilespmem:s21], [sflag:$0x4], $0x80, v4, vm0, $0xb8;
	[tilespmem:$0x1C100] =	vst v63  }
0x15d: {  	s1 =	simm.s32 $0xE900;
	v3 =	vperm.xlane v3, v2  }
0x15e: {  	[hbm4b:s4+s2] =	stream.indirect_vreg.scatter [tilespmem:s1], [sflag:$0x4], $0x80, v4, vm0, $0xb8;
	[tilespmem:$0x1C100] =	vst v63  }
0x15f: {  	v3 =	vadd.s32 v1, v3  }
0x160: {  	[hbm4b:s5+s2] =	stream.indirect_vreg.scatter [tilespmem:s8], [sflag:$0x4], $0x80, v4, vm0, $0xb8;
	[tilespmem:$0x1C100] =	vst v63  }
0x161: {  	_ = 	snop  }
0x162: {  	[hbm4b:s6+s2] =	stream.indirect_vreg.scatter [tilespmem:s9], [sflag:$0x4], $0x80, v4, vm1, $0xb8;
	[tilespmem:$0x1C100] =	vst v63  }
0x163: {  	_ = 	snop  }
0x164: {  	[hbm4b:s3+s2] =	stream.indirect_vreg.scatter [tilespmem:s15], [sflag:$0x4], $0x80, v3, vm0, $0xb8;
	[tilespmem:$0x1C100] =	vst v63  }
0x165: {  	_ = 	snop  }
0x166: {  	[hbm4b:s4+s2] =	stream.indirect_vreg.scatter [tilespmem:s16], [sflag:$0x4], $0x80, v3, vm0, $0xb8;
	[tilespmem:$0x1C100] =	vst v63  }
0x167: {  	_ = 	snop  }
0x168: {  	[hbm4b:s5+s2] =	stream.indirect_vreg.scatter [tilespmem:s17], [sflag:$0x4], $0x80, v3, vm0, $0xb8;
	[tilespmem:$0x1C100] =	vst v63  }
0x169: {  	_ = 	snop  }
0x16a: {  	[hbm4b:s6+s2] =	stream.indirect_vreg.scatter [tilespmem:s18], [sflag:$0x4], $0x80, v3, vm1, $0xb8;
	[tilespmem:$0x1C100] =	vst v63  }
0x16b: {  	v3 =	vld [tilespmem:$0x90];
	_ =	sdelay $0x4  }
0x16c: {  	v61 =	vshrl.u32 v3, $0x3  }
0x16d: {  	v4 =	vmul.u32 $0x38, v61  }
0x16e: {  	v3 =	vand.u32 $0x7, v3  }
0x16f: {  	v3 =	vor.u32 v3, v4  }
0x170: {  	v4 =	vperm.xlane v3, v0;
	_ =	sdelay $0x1  }
0x171: {  	v4 =	vadd.s32 v1, v4;
	_ =	sdelay $0x4  }
0x172: {  	[hbm4b:s3+s2] =	stream.indirect_vreg.scatter [tilespmem:s19], [sflag:$0x4], $0x80, v4, vm0, $0xb8;
	[tilespmem:$0x1C100] =	vst v63  }
0x173: {  	v3 =	vperm.xlane v3, v2  }
0x174: {  	[hbm4b:s4+s2] =	stream.indirect_vreg.scatter [tilespmem:s20], [sflag:$0x4], $0x80, v4, vm0, $0xb8;
	[tilespmem:$0x1C100] =	vst v63  }
0x175: {  	v3 =	vadd.s32 v1, v3  }
0x176: {  	[hbm4b:s5+s2] =	stream.indirect_vreg.scatter [tilespmem:s23], [sflag:$0x4], $0x80, v4, vm0, $0xb8;
	[tilespmem:$0x1C100] =	vst v63  }
0x177: {  	_ = 	snop  }
0x178: {  	[hbm4b:s6+s2] =	stream.indirect_vreg.scatter [tilespmem:s24], [sflag:$0x4], $0x80, v4, vm1, $0xb8;
	[tilespmem:$0x1C100] =	vst v63  }
0x179: {  	_ = 	snop  }
0x17a: {  	[hbm4b:s3+s2] =	stream.indirect_vreg.scatter [tilespmem:s25], [sflag:$0x4], $0x80, v3, vm0, $0xb8;
	[tilespmem:$0x1C100] =	vst v63  }
0x17b: {  	_ = 	snop  }
0x17c: {  	[hbm4b:s4+s2] =	stream.indirect_vreg.scatter [tilespmem:s26], [sflag:$0x4], $0x80, v3, vm0, $0xb8;
	[tilespmem:$0x1C100] =	vst v63  }
0x17d: {  	_ = 	snop  }
0x17e: {  	[hbm4b:s5+s2] =	stream.indirect_vreg.scatter [tilespmem:s28], [sflag:$0x4], $0x80, v3, vm0, $0xb8;
	[tilespmem:$0x1C100] =	vst v63  }
0x17f: {  	_ = 	snop  }
0x180: {  	[hbm4b:s6+s2] =	stream.indirect_vreg.scatter [tilespmem:s29], [sflag:$0x4], $0x80, v3, vm1, $0xb8;
	[tilespmem:$0x1C100] =	vst v63  }
0x181: {  	v3 =	vld [tilespmem:$0xA0];
	_ =	sdelay $0x4  }
0x182: {  	v62 =	vshrl.u32 v3, $0x3  }
0x183: {  	v4 =	vmul.u32 $0x38, v62  }
0x184: {  	v3 =	vand.u32 $0x7, v3  }
0x185: {  	v3 =	vor.u32 v3, v4  }
0x186: {  	v4 =	vperm.xlane v3, v0;
	_ =	sdelay $0x1  }
0x187: {  	v4 =	vadd.s32 v1, v4;
	_ =	sdelay $0x4  }
0x188: {  	[hbm4b:s3+s2] =	stream.indirect_vreg.scatter [tilespmem:s30], [sflag:$0x4], $0x80, v4, vm0, $0xb8;
	[tilespmem:$0x1C100] =	vst v63  }
0x189: {  	v3 =	vperm.xlane v3, v2  }
0x18a: {  	[hbm4b:s4+s2] =	stream.indirect_vreg.scatter [tilespmem:s31], [sflag:$0x4], $0x80, v4, vm0, $0xb8;
	[tilespmem:$0x1C100] =	vst v63  }
0x18b: {  	s13 =	simm.s32 $0x16100;
	v3 =	vadd.s32 v1, v3  }
0x18c: {  	[hbm4b:s5+s2] =	stream.indirect_vreg.scatter [tilespmem:s13], [sflag:$0x4], $0x80, v4, vm0, $0xb8;
	[tilespmem:$0x1C100] =	vst v63  }
0x18d: {  	s14 =	simm.s32 $0x16900  }
0x18e: {  	[hbm4b:s6+s2] =	stream.indirect_vreg.scatter [tilespmem:s14], [sflag:$0x4], $0x80, v4, vm1, $0xb8;
	[tilespmem:$0x1C100] =	vst v63  }
0x18f: {  	s1 =	simm.s32 $0x16D00  }
0x190: {  	[hbm4b:s3+s2] =	stream.indirect_vreg.scatter [tilespmem:s1], [sflag:$0x4], $0x80, v3, vm0, $0xb8;
	[tilespmem:$0x1C100] =	vst v63  }
0x191: {  	s13 =	simm.s32 $0x17500  }
0x192: {  	[hbm4b:s4+s2] =	stream.indirect_vreg.scatter [tilespmem:s13], [sflag:$0x4], $0x80, v3, vm0, $0xb8;
	[tilespmem:$0x1C100] =	vst v63  }
0x193: {  	s14 =	simm.s32 $0x17D00  }
0x194: {  	[hbm4b:s5+s2] =	stream.indirect_vreg.scatter [tilespmem:s14], [sflag:$0x4], $0x80, v3, vm0, $0xb8;
	[tilespmem:$0x1C100] =	vst v63  }
0x195: {  	s1 =	simm.s32 $0x18500  }
0x196: {  	[hbm4b:s6+s2] =	stream.indirect_vreg.scatter [tilespmem:s1], [sflag:$0x4], $0x80, v3, vm1, $0xb8;
	[tilespmem:$0x1C100] =	vst v63  }
0x197: {  	v3 =	vld [tilespmem:$0xB0];
	_ =	sdelay $0x4  }
0x198: {  	v63 =	vshrl.u32 v3, $0x3  }
0x199: {  	v4 =	vmul.u32 $0x38, v63  }
0x19a: {  	v3 =	vand.u32 $0x7, v3  }
0x19b: {  	v3 =	vor.u32 v3, v4  }
0x19c: {  	v4 =	vperm.xlane v3, v0;
	_ =	sdelay $0x1  }
0x19d: {  	v4 =	vadd.s32 v1, v4;
	_ =	sdelay $0x3  }
0x19e: {  	s13 =	simm.s32 $0x18900  }
0x19f: {  	[hbm4b:s3+s2] =	stream.indirect_vreg.scatter [tilespmem:s13], [sflag:$0x4], $0x80, v4, vm0, $0xb8;
	[tilespmem:$0x1C100] =	vst v63  }
0x1a0: {  	s14 =	simm.s32 $0x19100;
	v3 =	vperm.xlane v3, v2  }
0x1a1: {  	[hbm4b:s4+s2] =	stream.indirect_vreg.scatter [tilespmem:s14], [sflag:$0x4], $0x80, v4, vm0, $0xb8;
	[tilespmem:$0x1C100] =	vst v63  }
0x1a2: {  	s1 =	simm.s32 $0x19900;
	v3 =	vadd.s32 v1, v3  }
0x1a3: {  	[hbm4b:s5+s2] =	stream.indirect_vreg.scatter [tilespmem:s1], [sflag:$0x4], $0x80, v4, vm0, $0xb8;
	[tilespmem:$0x1C100] =	vst v63  }
0x1a4: {  	s13 =	simm.s32 $0x1A100  }
0x1a5: {  	[hbm4b:s6+s2] =	stream.indirect_vreg.scatter [tilespmem:s13], [sflag:$0x4], $0x80, v4, vm1, $0xb8;
	[tilespmem:$0x1C100] =	vst v63  }
0x1a6: {  	s14 =	simm.s32 $0x1A500  }
0x1a7: {  	[hbm4b:s3+s2] =	stream.indirect_vreg.scatter [tilespmem:s14], [sflag:$0x4], $0x80, v3, vm0, $0xb8;
	[tilespmem:$0x1C100] =	vst v63  }
0x1a8: {  	s1 =	simm.s32 $0x1AD00  }
0x1a9: {  	[hbm4b:s4+s2] =	stream.indirect_vreg.scatter [tilespmem:s1], [sflag:$0x4], $0x80, v3, vm0, $0xb8;
	[tilespmem:$0x1C100] =	vst v63  }
0x1aa: {  	p0 =	sne.s32 s7, $0x1;
	s13 =	simm.s32 $0x1B500  }
0x1ab: {  	[hbm4b:s5+s2] =	stream.indirect_vreg.scatter [tilespmem:s13], [sflag:$0x4], $0x80, v3, vm0, $0xb8;
	[tilespmem:$0x1C100] =	vst v63  }
.Ltmp0:
0x1ac: {  	s14 =	simm.s32 $0x1BD00;
	(pc) =	sbr.rel @p0 .LBB2_1-.Ltmp0, $4  }
0x1ad: {  	[hbm4b:s6+s2] =	stream.indirect_vreg.scatter [tilespmem:s14], [sflag:$0x4], $0x80, v3, vm1, $0xb8;
	[tilespmem:$0x1C100] =	vst v63  }
0x1ae: {  	_ =	swait.ge [sflag:s12], $0xE000  }
0x1af: {  	[sflag:s12] =	ssyncset.done $0x0  }
0x1b0: {  	s7 =	sadd.s32 $0xFFFFFFFF, s7;
	[sflag:s12] =	ssyncadd.s32 $0xFFFF2000  }
0x1b1: {  	_ =	sfence.sel $0x180000  }
0x1b2: {  	[bflag:$0x0] =	sbarrier.arrive $0xFFFF  }
0x1b3: {  	_ =	strace $0x90000047  }
0x1b4: {  	s0 =	stileid.u32;
	[bflag:$0x2] =	sbarrier.arrive $0xFFFF  }
0x1b5: {  	p0 =	sne.s32 s0, $0x0;
	s0 =	rddreg [dreg:$0x2]  }
0x1b6: {  	s0 =	sadd.s32 @!p0 $0x100000, s0  }
0x1b7: {  	[sflag:s0] =	ssyncadd.tile.s32 @!p0 $0x1;
	_ =	shalt  }
.Lfunc_end2:
_tile_overlayer_lowered:
.L_overlay_start_2:
0x1b8: {  	(tag) =	ssettag $0x2  }
0x1b9: {  	s0 =	rddreg [dreg:$0x0];
	s2 =	stileid.u32  }
0x1ba: {  	s1 =	rddreg [dreg:$0x1];
	p0 =	sne.s32 s2, $0x0  }
0x1bb: {  	s3 =	rddreg [dreg:$0x2];
	[bflag:$0x3] =	sbarrier.arrive $0xFFFF;
	s2 =	simm.s32 @!p0 $0x1C05  }
0x1bc: {  	[timem:s3], [sflag:s2] =	dma.local @!p0 [hbm:s0], s1  }
0x1bd: {  	s0 =	simm.s32 @!p0 $0x5  }
0x1be: {  	_ =	swait.ge @!p0 [sflag:s0], s1  }
0x1bf: {  	s1 =	ssub.s32 @!p0 $0x0, s1;
	[sflag:s0] =	ssyncset.done @!p0 $0x0  }
0x1c0: {  	[sflag:s0] =	ssyncadd.s32 @!p0 s1  }
0x1c1: {  	[bflag:$0x3] =	sbarrier.arrive $0xFFFF  }
0x1c2: {  	_ =	shalt  }

// kernel: kernel.8.cloned.1.call-start
scs
__scs_entry_jumppad:
0x0: {  	(pc) =	sbr.rel $0x88, $3  }
0x1: {  	(tag) =	ssettag $0x0;
	lr =	simm.s32 $0x1  }
0x2: {  	[smem:$0x3F9B] =	sst lr;
	_ =	strace $0xD0000000  }
0x3: {  	_ = 	snop  }
0x4: {  	_ = 	snop  }
0x5: {  	_ = 	snop  }
0x6: {  	_ = 	snop  }
0x7: {  	_ = 	snop  }
__scs_overlays_trampoline_lowered:
0x8: {  	[smem:$0x3FAA] =	sst s0  }
0x9: {  	[smem:$0x3FAB] =	sst s1  }
0xa: {  	[smem:$0x3FAC] =	sst s2  }
0xb: {  	[smem:$0x3FAD] =	sst s3  }
0xc: {  	[smem:$0x3FAE] =	sst s4  }
0xd: {  	[smem:$0x3FAF] =	sst s5  }
0xe: {  	[smem:$0x3FB0] =	sst s6  }
0xf: {  	[smem:$0x3FB1] =	sst s7  }
0x10: {  	[smem:$0x3FB2] =	sst s8  }
0x11: {  	[smem:$0x3FB3] =	sst s9;
	s0 =	simm.s32 @!p0 $0x0  }
0x12: {  	s1 =	sld [smem:$0x3F99];
	s0 =	simm.s32 @p0 $0x1  }
0x13: {  	[smem:$0x3FB4] =	sst s0;
	s0 =	simm.s32 @!p1 $0x0  }
0x14: {  	s2 =	sld [smem:$0x3F98];
	s0 =	simm.s32 @p1 $0x1  }
0x15: {  	[smem:$0x3FB5] =	sst s0;
	s0 =	simm.s32 @!p2 $0x0  }
0x16: {  	s3 =	sld [smem:$0x3FDB];
	s0 =	simm.s32 @p2 $0x1  }
0x17: {  	s4 =	simm.s32 $0x1BF5;
	[smem:$0x3FB7] =	sst s0  }
0x18: {  	s0 =	sld [smem:$0x3F9A];
	_ =	swait.ge [sflag:s4], $0x0  }
0x19: {  	s7 =	sld [smem:$0x3F9B]  }
0x1a: {  	s8 =	sadd.s32 $0xFFFFE003, lr  }
0x1b: {  	s9 =	sadd.s32 $0xFFFFFEF7, lr;
	s5 =	simm.s32 $0xFFFFFFFF;
	p2 =	slt.u32 s8, $0xFFFFF086  }
0x1c: {  	p1 =	slt.u32 s9, $0xF7A;
	s5 =	simm.s32 @!p2 $0x0  }
0x1d: {  	s5 =	simm.s32 @p1 $0x1;
	p0 =	seq.s32 s7, s2  }
0x1e: {  	s7 =	smul.u32 @!p0 $0xF7A, s2;
	p2 =	seq.s32 @!p0 s5, $0x0  }
0x1f: {  	s9 =	smul.u32 $0xF7A, s1;
	s8 =	simm.s32 @!p0 $0x1BF5;
	p2 =	por !p2, p0  }
0x20: {  	[sflag:s8] =	ssyncset.s32 @!p0 $0xFFFFF086;
	s6 =	sadd.s32 @!p0 s3, s7;
	s7 =	simm.s32 @!p0 $0x108  }
0x21: {  	s3 =	sadd.s32 s3, s9;
	s6 =	sadd.s32 @!p0 $0x88, s6;
	s7 =	simm.s32 @p2 $0x1082  }
0x22: {  	[simem:s7], [sflag:s8] =	dma.local @!p0 [hbm:s6], $0xF7A  }
0x23: {  	s9 =	sor.u32 $0xD0000000, s2;
	s6 =	simm.s32 $0x108;
	_ =	swait.ge @!p0 [sflag:s8], $0x0  }
0x24: {  	s3 =	sadd.s32 $0x88, s3;
	s6 =	simm.s32 @!p1 $0x1082;
	[sflag:s4] =	ssyncset.s32 $0xFFFFF086  }
0x25: {  	[simem:s6], [sflag:s4] =	dma.local [hbm:s3], $0xF7A  }
0x26: {  	[smem:$0x3F9B] =	sst s1;
	(tag) =	ssettag s2;
	_ =	strace s9  }
0x27: {  	s1 =	sld [smem:$0x3FAB]  }
0x28: {  	s2 =	sld [smem:$0x3FAC]  }
0x29: {  	s4 =	sld [smem:$0x3FAE]  }
0x2a: {  	p0 =	seq.s32 s5, $0x0;
	s5 =	sld [smem:$0x3FAF]  }
0x2b: {  	s6 =	sld [smem:$0x3FB0]  }
0x2c: {  	s7 =	sld [smem:$0x3FB1]  }
0x2d: {  	s3 =	simm.s32 $0x108;
	s8 =	sld [smem:$0x3FB2]  }
0x2e: {  	s3 =	simm.s32 @!p0 $0x1082;
	s9 =	sld [smem:$0x3FB3]  }
0x2f: {  	lr =	sadd.s32 s0, s3;
	s0 =	sld [smem:$0x3FAA]  }
0x30: {  	s3 =	sld [smem:$0x3FAD]  }
0x31: {  	[smem:$0x3FB6] =	sst s10  }
0x32: {  	s10 =	sld [smem:$0x3FB4];
	_ =	sdelay $0x3  }
0x33: {  	p0 =	seq.s32 s10, $0x1;
	s10 =	sld [smem:$0x3FB6];
	_ =	sdelay $0x3  }
0x34: {  	[smem:$0x3FB6] =	sst s10  }
0x35: {  	s10 =	sld [smem:$0x3FB5];
	_ =	sdelay $0x3  }
0x36: {  	p1 =	seq.s32 s10, $0x1;
	s10 =	sld [smem:$0x3FB6];
	_ =	sdelay $0x3  }
0x37: {  	[smem:$0x3FB6] =	sst s10  }
0x38: {  	s10 =	sld [smem:$0x3FB7]  }
0x39: {  	_ = 	snop;
	(pc) =	sbr.ind lr, $3  }
0x3a: {  	_ = 	snop  }
0x3b: {  	_ = 	snop  }
0x3c: {  	p2 =	seq.s32 s10, $0x1;
	s10 =	sld [smem:$0x3FB6]  }
0x3d: {  	_ =	shalt  }
0x3e: {  	_ =	shalt  }
0x3f: {  	_ =	shalt  }
0x40: {  	_ =	shalt  }
0x41: {  	_ =	shalt  }
0x42: {  	_ =	shalt  }
0x43: {  	_ =	shalt  }
0x44: {  	_ =	shalt  }
0x45: {  	_ =	shalt  }
0x46: {  	_ =	shalt  }
0x47: {  	_ =	shalt  }
0x48: {  	_ =	shalt  }
0x49: {  	_ =	shalt  }
0x4a: {  	_ =	shalt  }
0x4b: {  	_ =	shalt  }
0x4c: {  	_ =	shalt  }
0x4d: {  	_ =	shalt  }
0x4e: {  	_ =	shalt  }
0x4f: {  	_ =	shalt  }
0x50: {  	_ =	shalt  }
0x51: {  	_ =	shalt  }
0x52: {  	_ =	shalt  }
0x53: {  	_ =	shalt  }
0x54: {  	_ =	shalt  }
0x55: {  	_ =	shalt  }
0x56: {  	_ =	shalt  }
0x57: {  	_ =	shalt  }
0x58: {  	_ =	shalt  }
0x59: {  	_ =	shalt  }
0x5a: {  	_ =	shalt  }
0x5b: {  	_ =	shalt  }
0x5c: {  	_ =	shalt  }
0x5d: {  	_ =	shalt  }
0x5e: {  	_ =	shalt  }
0x5f: {  	_ =	shalt  }
0x60: {  	_ =	shalt  }
0x61: {  	_ =	shalt  }
0x62: {  	_ =	shalt  }
0x63: {  	_ =	shalt  }
0x64: {  	_ =	shalt  }
0x65: {  	_ =	shalt  }
0x66: {  	_ =	shalt  }
0x67: {  	_ =	shalt  }
0x68: {  	_ =	shalt  }
0x69: {  	_ =	shalt  }
0x6a: {  	_ =	shalt  }
0x6b: {  	_ =	shalt  }
0x6c: {  	_ =	shalt  }
0x6d: {  	_ =	shalt  }
0x6e: {  	_ =	shalt  }
0x6f: {  	_ =	shalt  }
0x70: {  	_ =	shalt  }
0x71: {  	_ =	shalt  }
0x72: {  	_ =	shalt  }
0x73: {  	_ =	shalt  }
0x74: {  	_ =	shalt  }
0x75: {  	_ =	shalt  }
0x76: {  	_ =	shalt  }
0x77: {  	_ =	shalt  }
0x78: {  	_ =	shalt  }
0x79: {  	_ =	shalt  }
0x7a: {  	_ =	shalt  }
0x7b: {  	_ =	shalt  }
0x7c: {  	_ =	shalt  }
0x7d: {  	_ =	shalt  }
0x7e: {  	_ =	shalt  }
0x7f: {  	_ =	shalt  }
0x80: {  	_ =	shalt  }
0x81: {  	_ =	shalt  }
0x82: {  	_ =	shalt  }
0x83: {  	_ =	shalt  }
0x84: {  	_ =	shalt  }
0x85: {  	_ =	shalt  }
0x86: {  	_ =	shalt  }
0x87: {  	_ =	shalt  }
.Lfunc_end0:
.L_simem_size_0:
called_computation.1_lowered:
.L_overlay_start_0:
0x88: {  	s2 =	sld [smem:$0x3FD9]  }
0x89: {  	s3 =	sld [smem:$0x3FFE];
	_ =	sdelay $0x1  }
0x8a: {  	s1 =	srdreg.scid  }
0x8b: {  	s0 =	sand.u32 $0x1, s1  }
0x8c: {  	s17 =	sshll.u32 s0, $0xA;
	s2 =	sadd.s32 s3, s2  }
0x8d: {  	s2 =	sadd.s32 s2, s17  }
0x8e: {  	[smem:$0x3FC2] =	sst s2  }
0x8f: {  	_ = 	snop  }
0x90: {  	s2 =	sld [smem:$0x3FD0];
	(tm) =	ssettm $0x1  }
0x91: {  	s18 =	sld [smem:$0x3FFB];
	_ =	sdelay $0x3  }
0x92: {  	_ =	strace s18  }
0x93: {  	s3 =	sld [smem:$0x3FFC];
	_ =	sdelay $0x3  }
0x94: {  	_ =	strace s3  }
0x95: {  	s3 =	sld [smem:$0x3FFD];
	_ =	sdelay $0x3  }
0x96: {  	_ =	strace s3  }
0x97: {  	_ =	strace $0x8FFFFFFF  }
0x98: {  	s19 =	sld [smem:$0x3FDB];
	_ =	sdelay $0x1  }
0x99: {  	s4 =	simm.s32 $_scs_section_size  }
0x9a: {  	s5 =	simm.s32 $_size__tile_overlayer_lowered;
	s6 =	simm.s32 $_tile_overlayer_lowered  }
0x9b: {  	s22 =	simm.s32 $0x1BFF;
	s21 =	sshll.u32 s6, $0x1;
	s3 =	sadd.s32 s4, s19  }
0x9c: {  	s7 =	simm.s32 $0x0;
	s20 =	sshll.u32 s5, $0x1;
	s5 =	sadd.s32 s21, s3  }
0x9d: {  	[timem:s7], [sflag:s22] =	dma.local [hbm:s5], s20  }
0x9e: {  	_ =	swait.ge [sflag:s22], s20  }
0x9f: {  	s4 =	ssub.s32 $0x0, s20;
	[sflag:s22] =	ssyncset.done $0x0  }
0xa0: {  	[sflag:s22] =	ssyncadd.s32 s4;
	_ =	sdelay $0x1  }
0xa1: {  	s23 =	simm.s32 $0x1B8B  }
0xa2: {  	_ =	swait.ge [sflag:s23], $0x1  }
0xa3: {  	[sflag:s23] =	ssyncset.done $0x0  }
0xa4: {  	s25 =	simm.s32 $0x1B8E;
	s24 =	sld [smem:$0x3FFE];
	[sflag:s23] =	ssyncadd.s32 $0xFFFFFFFF  }
0xa5: {  	s26 =	simm.s32 $execute0_lowered;
	[smem:$0x3FD2] =	sst s25  }
0xa6: {  	s5 =	sshll.u32 s26, $0x1;
	_ =	strace $0x80000049;
	[dreg:$0x1] =	wrdreg $0xFFFFFFFF  }
0xa7: {  	s28 =	simm.s32 $_size_execute0_lowered;
	s3 =	sadd.s32 s3, s5;
	[dreg:$0x0] =	wrdreg $0x0  }
0xa8: {  	s5 =	sshll.u32 s28, $0x1;
	[dreg:$0x2] =	wrdreg s3  }
0xa9: {  	[dreg:$0x3] =	wrdreg s5  }
0xaa: {  	[dreg:$0x4] =	wrdreg $0xC0  }
0xab: {  	_ =	task [dreg:s7], $0x5FFFF  }
0xac: {  	[dreg:$0x1] =	wrdreg $0xFFFFFFFF  }
0xad: {  	[dreg:$0x0] =	wrdreg $0x60  }
0xae: {  	[dreg:$0x2] =	wrdreg s24  }
0xaf: {  	[dreg:$0x3] =	wrdreg s2  }
0xb0: {  	[dreg:$0x4] =	wrdreg $0x9  }
0xb1: {  	_ =	task.clear_ibuf [dreg:s7], $0x5FFFF;
	_ =	strace $0x90000049  }
0xb2: {  	s29 =	simm.s32 $0x9;
	_ =	strace $0x8000004B  }
0xb3: {  	_ =	swait.ge [sflag:s29], $0x1  }
0xb4: {  	[sflag:s29] =	ssyncadd.s32 $0xFFFFFFFF  }
0xb5: {  	_ =	strace $0x9000004B  }
0xb6: {  	_ =	sfence  }
0xb7: {  	s30 =	sld [smem:$0x0];
	_ =	sdelay $0x2  }
0xb8: {  	s31 =	sshll.u32 s1, $0xD;
	s1 =	sshrl.u32 s1, $0x2  }
0xb9: {  	s3 =	sand.u32 $0x4000, s31;
	s1 =	sadd.s32 s1, s30  }
0xba: {  	s0 =	sor.u32 s3, s0;
	s1 =	sshll.u32 s1, $0x11  }
0xbb: {  	s0 =	sor.u32 s1, s0  }
0xbc: {  	s0 =	sadd.s32 $0x8F2B, s0  }
0xbd: {  	[sflag:s0] =	ssyncadd.remote.s32 $0x1  }
0xbe: {  	_ =	sfence.sel $0xFFFF  }
0xbf: {  	[dreg:$0x0] =	wrdreg $0xFFFFFFFF;
	(pc) =	sbr.abs _section_cstart, $3  }
0xc0: {  	[dreg:$0x1] =	wrdreg $0xFFFFFFFF  }
0xc1: {  	_ =	task.clear_ibuf [dreg:s7], $0x2FFFF;
	_ =	strace $0x9FFFFFFF  }
0xc2: {  	(tm) =	ssettm $0x7FFFFFFF  }
0xc3: {  	_ =	shalt  }
tec
execute0_lowered:
.L_overlay_start_1:
0x0: {  	(tag) =	ssettag $0x1  }
0x1: {  	s0 =	rddreg [dreg:$0x0]  }
0x2: {  	s1 =	rddreg [dreg:$0x1];
	s3 =	srdreg.scid  }
0x3: {  	s2 =	simm.s32 $0x0;
	s4 =	stileid.u32;
	s14 =	simm.s32 $0x4  }
0x4: {  	s15 =	simm.s32 $0x5;
	s16 =	simm.s32 $0x6;
	s19 =	simm.s32 $0x80  }
0x5: {  	s11 =	simm.s32 $0x100;
	s28 =	simm.s32 $0x4100;
	s29 =	simm.s32 $0x4900  }
0x6: {  	s30 =	simm.s32 $0x5100;
	s31 =	simm.s32 $0x5900;
	s12 =	simm.s32 $0x7100  }
0x7: {  	s13 =	simm.s32 $0x7900;
	s10 =	simm.s32 $0x9100;
	s3 =	sand.u32 $0x1, s3  }
0x8: {  	[smem:$0x7FF] =	sst s2;
	s4 =	sshll.u32 s4, $0x6;
	s5 =	sshll.u32 s3, $0x5  }
0x9: {  	_ =	strace $0x8000004A;
	s6 =	ssub.s32 $0x2, s3;
	s4 =	sor.u32 s5, s4  }
0xa: {  	s3 =	sadd.s32 $0x118400, s0;
	s8 =	sshrl.u32 s6, $0x1;
	s20 =	sadd.s32 s0, s4  }
0xb: {  	s5 =	sor.u32 $0x8, s4;
	s7 =	smul.u32 $0x300, s4;
	s23 =	sor.u32 $0x10, s4  }
0xc: {  	s6 =	ssub.s32 s6, s8;
	s4 =	sor.u32 $0x18, s4;
	s8 =	simm.s32 $0xC100  }
0xd: {  	[dreg:$0x3] =	wrdreg s20;
	s21 =	sadd.s32 s0, s5;
	s5 =	smul.u32 $0x300, s5  }
0xe: {  	s9 =	sadd.s32 s0, s23;
	s24 =	sadd.s32 s0, s4;
	s25 =	smul.u32 $0x300, s4  }
0xf: {  	s4 =	sadd.s32 $0x118500, s0;
	s6 =	smax.u32 s6, $0x1;
	[dreg:$0x4] =	wrdreg s21  }
0x10: {  	s20 =	simm.s32 $0x900;
	s22 =	sadd.s32 s1, s7;
	[dreg:$0x6] =	wrdreg s9  }
0x11: {  	s7 =	smul.u32 $0x300, s23;
	[dreg:$0x8] =	wrdreg s24;
	s21 =	simm.s32 $0x1100  }
0x12: {  	s23 =	simm.s32 $0x2100;
	s24 =	simm.s32 $0x2900;
	s9 =	simm.s32 $0x8100  }
0x13: {  	[dreg:$0x5] =	wrdreg s22;
	s5 =	sadd.s32 s1, s5;
	s26 =	sadd.s32 s1, s25  }
0x14: {  	v2 =	vlaneseq.u32;
	s22 =	simm.s32 $0x1900;
	s25 =	simm.s32 $0x3100;
	[dreg:$0x7] =	wrdreg s5  }
0x15: {  	vm0 =	vmmov $0xffff;
	v1 =	vshrl.u32 v2, $0x3;
	s7 =	sadd.s32 s1, s7;
	s5 =	sadd.s32 $0x118600, s0;
	[dreg:$0xa] =	wrdreg s26  }
0x16: {  	v0 =	vand.u32 $0x7, v2;
	v2 =	vor.u32 $0x8, v2;
	v1 =	vmul.u32 $0x8, v1;
	s26 =	simm.s32 $0x3900;
	s1 =	simm.s32 $0x2;
	[dreg:$0x9] =	wrdreg s7  }
.LBB2_1:
0x17: {  	s17 =	rddreg [dreg:$0x3]  }
0x18: {  	[tilespmem:s2], [sflag:$0x1] =	stream.linear.gather [hbm4b:s17+s2], $0x40, $0x38;
	[tilespmem:$0x18100] =	vst v63  }
0x19: {  	s18 =	rddreg [dreg:$0x4];
	s7 =	simm.s32 $0x1  }
0x1a: {  	[tilespmem:s19], [sflag:$0x2] =	stream.linear.gather [hbm4b:s18+s2], $0x40, $0x38;
	[tilespmem:$0x18100] =	vst v63  }
0x1b: {  	_ =	swait.ge [sflag:s7], $0x40  }
0x1c: {  	[sflag:s7] =	ssyncset.done $0x0  }
0x1d: {  	[sflag:s7] =	ssyncadd.s32 $0xFFFFFFC0  }
0x1e: {  	v3 =	vld [tilespmem:$0x0];
	_ =	sdelay $0x4  }
0x1f: {  	v4 =	vshrl.u32 v3, $0x3  }
0x20: {  	v4 =	vmul.u32 $0x30, v4  }
0x21: {  	v3 =	vand.u32 $0x7, v3  }
0x22: {  	v3 =	vor.u32 v3, v4  }
0x23: {  	v4 =	vperm.xlane v3, v0;
	_ =	sdelay $0x1  }
0x24: {  	v4 =	vadd.s32 v1, v4;
	_ =	sdelay $0x3  }
0x25: {  	v3 =	vperm.xlane v3, v2  }
0x26: {  	[tilespmem:s11], [sflag:$0x3] =	stream.indirect_vreg.gather [hbm4b:s3+s2], $0x80, v4, vm0, $0xb8;
	[tilespmem:$0x18100] =	vst v63  }
0x27: {  	v3 =	vadd.s32 v1, v3  }
0x28: {  	[tilespmem:s20], [sflag:$0x3] =	stream.indirect_vreg.gather [hbm4b:s4+s2], $0x80, v4, vm0, $0xb8;
	[tilespmem:$0x18100] =	vst v63  }
0x29: {  	_ = 	snop  }
0x2a: {  	[tilespmem:s21], [sflag:$0x3] =	stream.indirect_vreg.gather [hbm4b:s5+s2], $0x80, v4, vm0, $0xb8;
	[tilespmem:$0x18100] =	vst v63  }
0x2b: {  	_ = 	snop  }
0x2c: {  	[tilespmem:s22], [sflag:$0x3] =	stream.indirect_vreg.gather [hbm4b:s3+s2], $0x80, v3, vm0, $0xb8;
	[tilespmem:$0x18100] =	vst v63  }
0x2d: {  	_ = 	snop  }
0x2e: {  	[tilespmem:s23], [sflag:$0x3] =	stream.indirect_vreg.gather [hbm4b:s4+s2], $0x80, v3, vm0, $0xb8;
	[tilespmem:$0x18100] =	vst v63  }
0x2f: {  	_ = 	snop  }
0x30: {  	[tilespmem:s24], [sflag:$0x3] =	stream.indirect_vreg.gather [hbm4b:s5+s2], $0x80, v3, vm0, $0xb8;
	[tilespmem:$0x18100] =	vst v63  }
0x31: {  	v3 =	vld [tilespmem:$0x10];
	_ =	sdelay $0x4  }
0x32: {  	v49 =	vshrl.u32 v3, $0x3  }
0x33: {  	v4 =	vmul.u32 $0x30, v49  }
0x34: {  	v3 =	vand.u32 $0x7, v3  }
0x35: {  	v3 =	vor.u32 v3, v4  }
0x36: {  	v4 =	vperm.xlane v3, v0;
	_ =	sdelay $0x1  }
0x37: {  	v4 =	vadd.s32 v1, v4;
	_ =	sdelay $0x3  }
0x38: {  	v3 =	vperm.xlane v3, v2  }
0x39: {  	[tilespmem:s25], [sflag:$0x3] =	stream.indirect_vreg.gather [hbm4b:s3+s2], $0x80, v4, vm0, $0xb8;
	[tilespmem:$0x18100] =	vst v63  }
0x3a: {  	v3 =	vadd.s32 v1, v3  }
0x3b: {  	[tilespmem:s26], [sflag:$0x3] =	stream.indirect_vreg.gather [hbm4b:s4+s2], $0x80, v4, vm0, $0xb8;
	[tilespmem:$0x18100] =	vst v63  }
0x3c: {  	_ = 	snop  }
0x3d: {  	[tilespmem:s28], [sflag:$0x3] =	stream.indirect_vreg.gather [hbm4b:s5+s2], $0x80, v4, vm0, $0xb8;
	[tilespmem:$0x18100] =	vst v63  }
0x3e: {  	_ = 	snop  }
0x3f: {  	[tilespmem:s29], [sflag:$0x3] =	stream.indirect_vreg.gather [hbm4b:s3+s2], $0x80, v3, vm0, $0xb8;
	[tilespmem:$0x18100] =	vst v63  }
0x40: {  	_ = 	snop  }
0x41: {  	[tilespmem:s30], [sflag:$0x3] =	stream.indirect_vreg.gather [hbm4b:s4+s2], $0x80, v3, vm0, $0xb8;
	[tilespmem:$0x18100] =	vst v63  }
0x42: {  	_ = 	snop  }
0x43: {  	[tilespmem:s31], [sflag:$0x3] =	stream.indirect_vreg.gather [hbm4b:s5+s2], $0x80, v3, vm0, $0xb8;
	[tilespmem:$0x18100] =	vst v63  }
0x44: {  	v3 =	vld [tilespmem:$0x20];
	_ =	sdelay $0x4  }
0x45: {  	v50 =	vshrl.u32 v3, $0x3  }
0x46: {  	v4 =	vmul.u32 $0x30, v50  }
0x47: {  	v3 =	vand.u32 $0x7, v3  }
0x48: {  	v3 =	vor.u32 v3, v4  }
0x49: {  	v4 =	vperm.xlane v3, v0;
	_ =	sdelay $0x1  }
0x4a: {  	v4 =	vadd.s32 v1, v4;
	_ =	sdelay $0x3  }
0x4b: {  	s0 =	simm.s32 $0x6100;
	v3 =	vperm.xlane v3, v2  }
0x4c: {  	[tilespmem:s0], [sflag:$0x3] =	stream.indirect_vreg.gather [hbm4b:s3+s2], $0x80, v4, vm0, $0xb8;
	[tilespmem:$0x18100] =	vst v63  }
0x4d: {  	s17 =	simm.s32 $0x6900;
	v3 =	vadd.s32 v1, v3  }
0x4e: {  	[tilespmem:s17], [sflag:$0x3] =	stream.indirect_vreg.gather [hbm4b:s4+s2], $0x80, v4, vm0, $0xb8;
	[tilespmem:$0x18100] =	vst v63  }
0x4f: {  	_ = 	snop  }
0x50: {  	[tilespmem:s12], [sflag:$0x3] =	stream.indirect_vreg.gather [hbm4b:s5+s2], $0x80, v4, vm0, $0xb8;
	[tilespmem:$0x18100] =	vst v63  }
0x51: {  	_ = 	snop  }
0x52: {  	[tilespmem:s13], [sflag:$0x3] =	stream.indirect_vreg.gather [hbm4b:s3+s2], $0x80, v3, vm0, $0xb8;
	[tilespmem:$0x18100] =	vst v63  }
0x53: {  	_ = 	snop  }
0x54: {  	[tilespmem:s9], [sflag:$0x3] =	stream.indirect_vreg.gather [hbm4b:s4+s2], $0x80, v3, vm0, $0xb8;
	[tilespmem:$0x18100] =	vst v63  }
0x55: {  	s18 =	simm.s32 $0x8900  }
0x56: {  	[tilespmem:s18], [sflag:$0x3] =	stream.indirect_vreg.gather [hbm4b:s5+s2], $0x80, v3, vm0, $0xb8;
	[tilespmem:$0x18100] =	vst v63  }
0x57: {  	v3 =	vld [tilespmem:$0x30];
	_ =	sdelay $0x4  }
0x58: {  	v51 =	vshrl.u32 v3, $0x3  }
0x59: {  	v4 =	vmul.u32 $0x30, v51  }
0x5a: {  	v3 =	vand.u32 $0x7, v3  }
0x5b: {  	v3 =	vor.u32 v3, v4  }
0x5c: {  	v4 =	vperm.xlane v3, v0;
	_ =	sdelay $0x1  }
0x5d: {  	v4 =	vadd.s32 v1, v4;
	_ =	sdelay $0x3  }
0x5e: {  	v3 =	vperm.xlane v3, v2  }
0x5f: {  	[tilespmem:s10], [sflag:$0x3] =	stream.indirect_vreg.gather [hbm4b:s3+s2], $0x80, v4, vm0, $0xb8;
	[tilespmem:$0x18100] =	vst v63  }
0x60: {  	s17 =	simm.s32 $0x9900;
	v3 =	vadd.s32 v1, v3  }
0x61: {  	[tilespmem:s17], [sflag:$0x3] =	stream.indirect_vreg.gather [hbm4b:s4+s2], $0x80, v4, vm0, $0xb8;
	[tilespmem:$0x18100] =	vst v63  }
0x62: {  	s18 =	simm.s32 $0xA100  }
0x63: {  	[tilespmem:s18], [sflag:$0x3] =	stream.indirect_vreg.gather [hbm4b:s5+s2], $0x80, v4, vm0, $0xb8;
	[tilespmem:$0x18100] =	vst v63  }
0x64: {  	s17 =	simm.s32 $0xA900  }
0x65: {  	[tilespmem:s17], [sflag:$0x3] =	stream.indirect_vreg.gather [hbm4b:s3+s2], $0x80, v3, vm0, $0xb8;
	[tilespmem:$0x18100] =	vst v63  }
0x66: {  	s18 =	simm.s32 $0xB100  }
0x67: {  	[tilespmem:s18], [sflag:$0x3] =	stream.indirect_vreg.gather [hbm4b:s4+s2], $0x80, v3, vm0, $0xb8;
	[tilespmem:$0x18100] =	vst v63  }
0x68: {  	s0 =	simm.s32 $0x3;
	s17 =	simm.s32 $0xB900  }
0x69: {  	[tilespmem:s17], [sflag:$0x3] =	stream.indirect_vreg.gather [hbm4b:s5+s2], $0x80, v3, vm0, $0xb8;
	[tilespmem:$0x18100] =	vst v63  }
0x6a: {  	_ =	swait.ge [sflag:s0], $0xC000  }
0x6b: {  	[sflag:s0] =	ssyncset.done $0x0  }
0x6c: {  	s17 =	rddreg [dreg:$0x5];
	[sflag:s0] =	ssyncadd.s32 $0xFFFF4000  }
0x6d: {  	[hbm4b:s17+s2] =	stream.linear.scatter [tilespmem:s11], [sflag:$0x5], $0xC000, $0x38;
	[tilespmem:$0x18100] =	vst v63  }
0x6e: {  	s18 =	rddreg [dreg:$0x6]  }
0x6f: {  	[tilespmem:s2], [sflag:$0x1] =	stream.linear.gather [hbm4b:s18+s2], $0x40, $0x38;
	[tilespmem:$0x18100] =	vst v63  }
0x70: {  	_ =	swait.ge [sflag:s1], $0x40  }
0x71: {  	[sflag:s1] =	ssyncset.done $0x0  }
0x72: {  	[sflag:s1] =	ssyncadd.s32 $0xFFFFFFC0  }
0x73: {  	v3 =	vld [tilespmem:$0x80];
	_ =	sdelay $0x4  }
0x74: {  	v52 =	vshrl.u32 v3, $0x3  }
0x75: {  	v4 =	vmul.u32 $0x30, v52  }
0x76: {  	v3 =	vand.u32 $0x7, v3  }
0x77: {  	v3 =	vor.u32 v3, v4  }
0x78: {  	v4 =	vperm.xlane v3, v0;
	_ =	sdelay $0x1  }
0x79: {  	v4 =	vadd.s32 v1, v4;
	_ =	sdelay $0x3  }
0x7a: {  	v3 =	vperm.xlane v3, v2  }
0x7b: {  	[tilespmem:s8], [sflag:$0x4] =	stream.indirect_vreg.gather [hbm4b:s3+s2], $0x80, v4, vm0, $0xb8;
	[tilespmem:$0x18100] =	vst v63  }
0x7c: {  	s18 =	simm.s32 $0xC900;
	v3 =	vadd.s32 v1, v3  }
0x7d: {  	[tilespmem:s18], [sflag:$0x4] =	stream.indirect_vreg.gather [hbm4b:s4+s2], $0x80, v4, vm0, $0xb8;
	[tilespmem:$0x18100] =	vst v63  }
0x7e: {  	s18 =	simm.s32 $0xD100  }
0x7f: {  	[tilespmem:s18], [sflag:$0x4] =	stream.indirect_vreg.gather [hbm4b:s5+s2], $0x80, v4, vm0, $0xb8;
	[tilespmem:$0x18100] =	vst v63  }
0x80: {  	s18 =	simm.s32 $0xD900  }
0x81: {  	[tilespmem:s18], [sflag:$0x4] =	stream.indirect_vreg.gather [hbm4b:s3+s2], $0x80, v3, vm0, $0xb8;
	[tilespmem:$0x18100] =	vst v63  }
0x82: {  	s18 =	simm.s32 $0xE100  }
0x83: {  	[tilespmem:s18], [sflag:$0x4] =	stream.indirect_vreg.gather [hbm4b:s4+s2], $0x80, v3, vm0, $0xb8;
	[tilespmem:$0x18100] =	vst v63  }
0x84: {  	s18 =	simm.s32 $0xE900  }
0x85: {  	[tilespmem:s18], [sflag:$0x4] =	stream.indirect_vreg.gather [hbm4b:s5+s2], $0x80, v3, vm0, $0xb8;
	[tilespmem:$0x18100] =	vst v63  }
0x86: {  	v3 =	vld [tilespmem:$0x90];
	_ =	sdelay $0x4  }
0x87: {  	v53 =	vshrl.u32 v3, $0x3  }
0x88: {  	v4 =	vmul.u32 $0x30, v53  }
0x89: {  	v3 =	vand.u32 $0x7, v3  }
0x8a: {  	v3 =	vor.u32 v3, v4  }
0x8b: {  	v4 =	vperm.xlane v3, v0;
	_ =	sdelay $0x1  }
0x8c: {  	v4 =	vadd.s32 v1, v4;
	_ =	sdelay $0x3  }
0x8d: {  	s18 =	simm.s32 $0xF100;
	v3 =	vperm.xlane v3, v2  }
0x8e: {  	[tilespmem:s18], [sflag:$0x4] =	stream.indirect_vreg.gather [hbm4b:s3+s2], $0x80, v4, vm0, $0xb8;
	[tilespmem:$0x18100] =	vst v63  }
0x8f: {  	v3 =	vadd.s32 v1, v3;
	s18 =	simm.s32 $0xF900  }
0x90: {  	[tilespmem:s18], [sflag:$0x4] =	stream.indirect_vreg.gather [hbm4b:s4+s2], $0x80, v4, vm0, $0xb8;
	[tilespmem:$0x18100] =	vst v63  }
0x91: {  	s18 =	simm.s32 $0x10100  }
0x92: {  	[tilespmem:s18], [sflag:$0x4] =	stream.indirect_vreg.gather [hbm4b:s5+s2], $0x80, v4, vm0, $0xb8;
	[tilespmem:$0x18100] =	vst v63  }
0x93: {  	s18 =	simm.s32 $0x10900  }
0x94: {  	[tilespmem:s18], [sflag:$0x4] =	stream.indirect_vreg.gather [hbm4b:s3+s2], $0x80, v3, vm0, $0xb8;
	[tilespmem:$0x18100] =	vst v63  }
0x95: {  	s18 =	simm.s32 $0x11100  }
0x96: {  	[tilespmem:s18], [sflag:$0x4] =	stream.indirect_vreg.gather [hbm4b:s4+s2], $0x80, v3, vm0, $0xb8;
	[tilespmem:$0x18100] =	vst v63  }
0x97: {  	s18 =	simm.s32 $0x11900  }
0x98: {  	[tilespmem:s18], [sflag:$0x4] =	stream.indirect_vreg.gather [hbm4b:s5+s2], $0x80, v3, vm0, $0xb8;
	[tilespmem:$0x18100] =	vst v63  }
0x99: {  	v3 =	vld [tilespmem:$0xA0];
	_ =	sdelay $0x4  }
0x9a: {  	v54 =	vshrl.u32 v3, $0x3  }
0x9b: {  	v4 =	vmul.u32 $0x30, v54  }
0x9c: {  	v3 =	vand.u32 $0x7, v3  }
0x9d: {  	v3 =	vor.u32 v3, v4  }
0x9e: {  	v4 =	vperm.xlane v3, v0;
	_ =	sdelay $0x1  }
0x9f: {  	v4 =	vadd.s32 v1, v4;
	_ =	sdelay $0x3  }
0xa0: {  	s18 =	simm.s32 $0x12100;
	v3 =	vperm.xlane v3, v2  }
0xa1: {  	[tilespmem:s18], [sflag:$0x4] =	stream.indirect_vreg.gather [hbm4b:s3+s2], $0x80, v4, vm0, $0xb8;
	[tilespmem:$0x18100] =	vst v63  }
0xa2: {  	v3 =	vadd.s32 v1, v3;
	s18 =	simm.s32 $0x12900  }
0xa3: {  	[tilespmem:s18], [sflag:$0x4] =	stream.indirect_vreg.gather [hbm4b:s4+s2], $0x80, v4, vm0, $0xb8;
	[tilespmem:$0x18100] =	vst v63  }
0xa4: {  	s18 =	simm.s32 $0x13100  }
0xa5: {  	[tilespmem:s18], [sflag:$0x4] =	stream.indirect_vreg.gather [hbm4b:s5+s2], $0x80, v4, vm0, $0xb8;
	[tilespmem:$0x18100] =	vst v63  }
0xa6: {  	s18 =	simm.s32 $0x13900  }
0xa7: {  	[tilespmem:s18], [sflag:$0x4] =	stream.indirect_vreg.gather [hbm4b:s3+s2], $0x80, v3, vm0, $0xb8;
	[tilespmem:$0x18100] =	vst v63  }
0xa8: {  	s18 =	simm.s32 $0x14100  }
0xa9: {  	[tilespmem:s18], [sflag:$0x4] =	stream.indirect_vreg.gather [hbm4b:s4+s2], $0x80, v3, vm0, $0xb8;
	[tilespmem:$0x18100] =	vst v63  }
0xaa: {  	s18 =	simm.s32 $0x14900  }
0xab: {  	[tilespmem:s18], [sflag:$0x4] =	stream.indirect_vreg.gather [hbm4b:s5+s2], $0x80, v3, vm0, $0xb8;
	[tilespmem:$0x18100] =	vst v63  }
0xac: {  	v3 =	vld [tilespmem:$0xB0];
	_ =	sdelay $0x4  }
0xad: {  	v55 =	vshrl.u32 v3, $0x3  }
0xae: {  	v4 =	vmul.u32 $0x30, v55  }
0xaf: {  	v3 =	vand.u32 $0x7, v3  }
0xb0: {  	v3 =	vor.u32 v3, v4  }
0xb1: {  	v4 =	vperm.xlane v3, v0;
	_ =	sdelay $0x1  }
0xb2: {  	v4 =	vadd.s32 v1, v4;
	_ =	sdelay $0x3  }
0xb3: {  	s18 =	simm.s32 $0x15100;
	v3 =	vperm.xlane v3, v2  }
0xb4: {  	[tilespmem:s18], [sflag:$0x4] =	stream.indirect_vreg.gather [hbm4b:s3+s2], $0x80, v4, vm0, $0xb8;
	[tilespmem:$0x18100] =	vst v63  }
0xb5: {  	v3 =	vadd.s32 v1, v3;
	s18 =	simm.s32 $0x15900  }
0xb6: {  	[tilespmem:s18], [sflag:$0x4] =	stream.indirect_vreg.gather [hbm4b:s4+s2], $0x80, v4, vm0, $0xb8;
	[tilespmem:$0x18100] =	vst v63  }
0xb7: {  	s18 =	simm.s32 $0x16100  }
0xb8: {  	[tilespmem:s18], [sflag:$0x4] =	stream.indirect_vreg.gather [hbm4b:s5+s2], $0x80, v4, vm0, $0xb8;
	[tilespmem:$0x18100] =	vst v63  }
0xb9: {  	s18 =	simm.s32 $0x16900  }
0xba: {  	[tilespmem:s18], [sflag:$0x4] =	stream.indirect_vreg.gather [hbm4b:s3+s2], $0x80, v3, vm0, $0xb8;
	[tilespmem:$0x18100] =	vst v63  }
0xbb: {  	s18 =	simm.s32 $0x17100  }
0xbc: {  	[tilespmem:s18], [sflag:$0x4] =	stream.indirect_vreg.gather [hbm4b:s4+s2], $0x80, v3, vm0, $0xb8;
	[tilespmem:$0x18100] =	vst v63  }
0xbd: {  	s18 =	simm.s32 $0x17900  }
0xbe: {  	[tilespmem:s18], [sflag:$0x4] =	stream.indirect_vreg.gather [hbm4b:s5+s2], $0x80, v3, vm0, $0xb8;
	[tilespmem:$0x18100] =	vst v63  }
0xbf: {  	_ =	swait.ge [sflag:s14], $0xC000  }
0xc0: {  	[sflag:s14] =	ssyncset.done $0x0  }
0xc1: {  	s17 =	rddreg [dreg:$0x7];
	[sflag:s14] =	ssyncadd.s32 $0xFFFF4000  }
0xc2: {  	[hbm4b:s17+s2] =	stream.linear.scatter [tilespmem:s8], [sflag:$0x6], $0xC000, $0x38;
	[tilespmem:$0x18100] =	vst v63  }
0xc3: {  	s18 =	rddreg [dreg:$0x8]  }
0xc4: {  	[tilespmem:s19], [sflag:$0x2] =	stream.linear.gather [hbm4b:s18+s2], $0x40, $0x38;
	[tilespmem:$0x18100] =	vst v63  }
0xc5: {  	_ =	swait.ge [sflag:s15], $0xC000  }
0xc6: {  	[sflag:s15] =	ssyncset.done $0x0  }
0xc7: {  	[sflag:s15] =	ssyncadd.s32 $0xFFFF4000  }
0xc8: {  	_ =	swait.ge [sflag:s7], $0x40  }
0xc9: {  	[sflag:s7] =	ssyncset.done $0x0  }
0xca: {  	[sflag:s7] =	ssyncadd.s32 $0xFFFFFFC0  }
0xcb: {  	v3 =	vld [tilespmem:$0x0];
	_ =	sdelay $0x4  }
0xcc: {  	v56 =	vshrl.u32 v3, $0x3  }
0xcd: {  	v4 =	vmul.u32 $0x30, v56  }
0xce: {  	v3 =	vand.u32 $0x7, v3  }
0xcf: {  	v3 =	vor.u32 v3, v4  }
0xd0: {  	v4 =	vperm.xlane v3, v0;
	_ =	sdelay $0x1  }
0xd1: {  	v4 =	vadd.s32 v1, v4;
	_ =	sdelay $0x3  }
0xd2: {  	v3 =	vperm.xlane v3, v2  }
0xd3: {  	[tilespmem:s11], [sflag:$0x3] =	stream.indirect_vreg.gather [hbm4b:s3+s2], $0x80, v4, vm0, $0xb8;
	[tilespmem:$0x18100] =	vst v63  }
0xd4: {  	v3 =	vadd.s32 v1, v3  }
0xd5: {  	[tilespmem:s20], [sflag:$0x3] =	stream.indirect_vreg.gather [hbm4b:s4+s2], $0x80, v4, vm0, $0xb8;
	[tilespmem:$0x18100] =	vst v63  }
0xd6: {  	_ = 	snop  }
0xd7: {  	[tilespmem:s21], [sflag:$0x3] =	stream.indirect_vreg.gather [hbm4b:s5+s2], $0x80, v4, vm0, $0xb8;
	[tilespmem:$0x18100] =	vst v63  }
0xd8: {  	_ = 	snop  }
0xd9: {  	[tilespmem:s22], [sflag:$0x3] =	stream.indirect_vreg.gather [hbm4b:s3+s2], $0x80, v3, vm0, $0xb8;
	[tilespmem:$0x18100] =	vst v63  }
0xda: {  	_ = 	snop  }
0xdb: {  	[tilespmem:s23], [sflag:$0x3] =	stream.indirect_vreg.gather [hbm4b:s4+s2], $0x80, v3, vm0, $0xb8;
	[tilespmem:$0x18100] =	vst v63  }
0xdc: {  	_ = 	snop  }
0xdd: {  	[tilespmem:s24], [sflag:$0x3] =	stream.indirect_vreg.gather [hbm4b:s5+s2], $0x80, v3, vm0, $0xb8;
	[tilespmem:$0x18100] =	vst v63  }
0xde: {  	v3 =	vld [tilespmem:$0x10];
	_ =	sdelay $0x4  }
0xdf: {  	v57 =	vshrl.u32 v3, $0x3  }
0xe0: {  	v4 =	vmul.u32 $0x30, v57  }
0xe1: {  	v3 =	vand.u32 $0x7, v3  }
0xe2: {  	v3 =	vor.u32 v3, v4  }
0xe3: {  	v4 =	vperm.xlane v3, v0;
	_ =	sdelay $0x1  }
0xe4: {  	v4 =	vadd.s32 v1, v4;
	_ =	sdelay $0x3  }
0xe5: {  	v3 =	vperm.xlane v3, v2  }
0xe6: {  	[tilespmem:s25], [sflag:$0x3] =	stream.indirect_vreg.gather [hbm4b:s3+s2], $0x80, v4, vm0, $0xb8;
	[tilespmem:$0x18100] =	vst v63  }
0xe7: {  	v3 =	vadd.s32 v1, v3  }
0xe8: {  	[tilespmem:s26], [sflag:$0x3] =	stream.indirect_vreg.gather [hbm4b:s4+s2], $0x80, v4, vm0, $0xb8;
	[tilespmem:$0x18100] =	vst v63  }
0xe9: {  	_ = 	snop  }
0xea: {  	[tilespmem:s28], [sflag:$0x3] =	stream.indirect_vreg.gather [hbm4b:s5+s2], $0x80, v4, vm0, $0xb8;
	[tilespmem:$0x18100] =	vst v63  }
0xeb: {  	_ = 	snop  }
0xec: {  	[tilespmem:s29], [sflag:$0x3] =	stream.indirect_vreg.gather [hbm4b:s3+s2], $0x80, v3, vm0, $0xb8;
	[tilespmem:$0x18100] =	vst v63  }
0xed: {  	_ = 	snop  }
0xee: {  	[tilespmem:s30], [sflag:$0x3] =	stream.indirect_vreg.gather [hbm4b:s4+s2], $0x80, v3, vm0, $0xb8;
	[tilespmem:$0x18100] =	vst v63  }
0xef: {  	_ = 	snop  }
0xf0: {  	[tilespmem:s31], [sflag:$0x3] =	stream.indirect_vreg.gather [hbm4b:s5+s2], $0x80, v3, vm0, $0xb8;
	[tilespmem:$0x18100] =	vst v63  }
0xf1: {  	v3 =	vld [tilespmem:$0x20];
	_ =	sdelay $0x4  }
0xf2: {  	v58 =	vshrl.u32 v3, $0x3  }
0xf3: {  	v4 =	vmul.u32 $0x30, v58  }
0xf4: {  	v3 =	vand.u32 $0x7, v3  }
0xf5: {  	v3 =	vor.u32 v3, v4  }
0xf6: {  	v4 =	vperm.xlane v3, v0;
	_ =	sdelay $0x1  }
0xf7: {  	v4 =	vadd.s32 v1, v4;
	_ =	sdelay $0x3  }
0xf8: {  	s18 =	simm.s32 $0x6100;
	v3 =	vperm.xlane v3, v2  }
0xf9: {  	[tilespmem:s18], [sflag:$0x3] =	stream.indirect_vreg.gather [hbm4b:s3+s2], $0x80, v4, vm0, $0xb8;
	[tilespmem:$0x18100] =	vst v63  }
0xfa: {  	s17 =	simm.s32 $0x6900;
	v3 =	vadd.s32 v1, v3  }
0xfb: {  	[tilespmem:s17], [sflag:$0x3] =	stream.indirect_vreg.gather [hbm4b:s4+s2], $0x80, v4, vm0, $0xb8;
	[tilespmem:$0x18100] =	vst v63  }
0xfc: {  	_ = 	snop  }
0xfd: {  	[tilespmem:s12], [sflag:$0x3] =	stream.indirect_vreg.gather [hbm4b:s5+s2], $0x80, v4, vm0, $0xb8;
	[tilespmem:$0x18100] =	vst v63  }
0xfe: {  	_ = 	snop  }
0xff: {  	[tilespmem:s13], [sflag:$0x3] =	stream.indirect_vreg.gather [hbm4b:s3+s2], $0x80, v3, vm0, $0xb8;
	[tilespmem:$0x18100] =	vst v63  }
0x100: {  	_ = 	snop  }
0x101: {  	[tilespmem:s9], [sflag:$0x3] =	stream.indirect_vreg.gather [hbm4b:s4+s2], $0x80, v3, vm0, $0xb8;
	[tilespmem:$0x18100] =	vst v63  }
0x102: {  	s18 =	simm.s32 $0x8900  }
0x103: {  	[tilespmem:s18], [sflag:$0x3] =	stream.indirect_vreg.gather [hbm4b:s5+s2], $0x80, v3, vm0, $0xb8;
	[tilespmem:$0x18100] =	vst v63  }
0x104: {  	v3 =	vld [tilespmem:$0x30];
	_ =	sdelay $0x4  }
0x105: {  	v59 =	vshrl.u32 v3, $0x3  }
0x106: {  	v4 =	vmul.u32 $0x30, v59  }
0x107: {  	v3 =	vand.u32 $0x7, v3  }
0x108: {  	v3 =	vor.u32 v3, v4  }
0x109: {  	v4 =	vperm.xlane v3, v0;
	_ =	sdelay $0x1  }
0x10a: {  	v4 =	vadd.s32 v1, v4;
	_ =	sdelay $0x3  }
0x10b: {  	v3 =	vperm.xlane v3, v2  }
0x10c: {  	[tilespmem:s10], [sflag:$0x3] =	stream.indirect_vreg.gather [hbm4b:s3+s2], $0x80, v4, vm0, $0xb8;
	[tilespmem:$0x18100] =	vst v63  }
0x10d: {  	s17 =	simm.s32 $0x9900;
	v3 =	vadd.s32 v1, v3  }
0x10e: {  	[tilespmem:s17], [sflag:$0x3] =	stream.indirect_vreg.gather [hbm4b:s4+s2], $0x80, v4, vm0, $0xb8;
	[tilespmem:$0x18100] =	vst v63  }
0x10f: {  	s18 =	simm.s32 $0xA100  }
0x110: {  	[tilespmem:s18], [sflag:$0x3] =	stream.indirect_vreg.gather [hbm4b:s5+s2], $0x80, v4, vm0, $0xb8;
	[tilespmem:$0x18100] =	vst v63  }
0x111: {  	s17 =	simm.s32 $0xA900  }
0x112: {  	[tilespmem:s17], [sflag:$0x3] =	stream.indirect_vreg.gather [hbm4b:s3+s2], $0x80, v3, vm0, $0xb8;
	[tilespmem:$0x18100] =	vst v63  }
0x113: {  	s18 =	simm.s32 $0xB100  }
0x114: {  	[tilespmem:s18], [sflag:$0x3] =	stream.indirect_vreg.gather [hbm4b:s4+s2], $0x80, v3, vm0, $0xb8;
	[tilespmem:$0x18100] =	vst v63  }
0x115: {  	s17 =	simm.s32 $0xB900  }
0x116: {  	[tilespmem:s17], [sflag:$0x3] =	stream.indirect_vreg.gather [hbm4b:s5+s2], $0x80, v3, vm0, $0xb8;
	[tilespmem:$0x18100] =	vst v63  }
0x117: {  	_ =	swait.ge [sflag:s0], $0xC000  }
0x118: {  	[sflag:s0] =	ssyncset.done $0x0  }
0x119: {  	s18 =	rddreg [dreg:$0x9];
	[sflag:s0] =	ssyncadd.s32 $0xFFFF4000  }
0x11a: {  	[hbm4b:s18+s2] =	stream.linear.scatter [tilespmem:s11], [sflag:$0x5], $0xC000, $0x38;
	[tilespmem:$0x18100] =	vst v63  }
0x11b: {  	_ =	swait.ge [sflag:s16], $0xC000  }
0x11c: {  	[sflag:s16] =	ssyncset.done $0x0  }
0x11d: {  	[sflag:s16] =	ssyncadd.s32 $0xFFFF4000  }
0x11e: {  	_ =	swait.ge [sflag:s1], $0x40  }
0x11f: {  	[sflag:s1] =	ssyncset.done $0x0  }
0x120: {  	[sflag:s1] =	ssyncadd.s32 $0xFFFFFFC0  }
0x121: {  	v3 =	vld [tilespmem:$0x80];
	_ =	sdelay $0x4  }
0x122: {  	v60 =	vshrl.u32 v3, $0x3  }
0x123: {  	v4 =	vmul.u32 $0x30, v60  }
0x124: {  	v3 =	vand.u32 $0x7, v3  }
0x125: {  	v3 =	vor.u32 v3, v4  }
0x126: {  	v4 =	vperm.xlane v3, v0;
	_ =	sdelay $0x1  }
0x127: {  	v4 =	vadd.s32 v1, v4;
	_ =	sdelay $0x3  }
0x128: {  	v3 =	vperm.xlane v3, v2  }
0x129: {  	[tilespmem:s8], [sflag:$0x4] =	stream.indirect_vreg.gather [hbm4b:s3+s2], $0x80, v4, vm0, $0xb8;
	[tilespmem:$0x18100] =	vst v63  }
0x12a: {  	s7 =	simm.s32 $0xC900;
	v3 =	vadd.s32 v1, v3  }
0x12b: {  	[tilespmem:s7], [sflag:$0x4] =	stream.indirect_vreg.gather [hbm4b:s4+s2], $0x80, v4, vm0, $0xb8;
	[tilespmem:$0x18100] =	vst v63  }
0x12c: {  	s17 =	simm.s32 $0xD100  }
0x12d: {  	[tilespmem:s17], [sflag:$0x4] =	stream.indirect_vreg.gather [hbm4b:s5+s2], $0x80, v4, vm0, $0xb8;
	[tilespmem:$0x18100] =	vst v63  }
0x12e: {  	s18 =	simm.s32 $0xD900  }
0x12f: {  	[tilespmem:s18], [sflag:$0x4] =	stream.indirect_vreg.gather [hbm4b:s3+s2], $0x80, v3, vm0, $0xb8;
	[tilespmem:$0x18100] =	vst v63  }
0x130: {  	s7 =	simm.s32 $0xE100  }
0x131: {  	[tilespmem:s7], [sflag:$0x4] =	stream.indirect_vreg.gather [hbm4b:s4+s2], $0x80, v3, vm0, $0xb8;
	[tilespmem:$0x18100] =	vst v63  }
0x132: {  	s17 =	simm.s32 $0xE900  }
0x133: {  	[tilespmem:s17], [sflag:$0x4] =	stream.indirect_vreg.gather [hbm4b:s5+s2], $0x80, v3, vm0, $0xb8;
	[tilespmem:$0x18100] =	vst v63  }
0x134: {  	v3 =	vld [tilespmem:$0x90];
	_ =	sdelay $0x4  }
0x135: {  	v61 =	vshrl.u32 v3, $0x3  }
0x136: {  	v4 =	vmul.u32 $0x30, v61  }
0x137: {  	v3 =	vand.u32 $0x7, v3  }
0x138: {  	v3 =	vor.u32 v3, v4  }
0x139: {  	v4 =	vperm.xlane v3, v0;
	_ =	sdelay $0x1  }
0x13a: {  	v4 =	vadd.s32 v1, v4;
	_ =	sdelay $0x3  }
0x13b: {  	s18 =	simm.s32 $0xF100;
	v3 =	vperm.xlane v3, v2  }
0x13c: {  	[tilespmem:s18], [sflag:$0x4] =	stream.indirect_vreg.gather [hbm4b:s3+s2], $0x80, v4, vm0, $0xb8;
	[tilespmem:$0x18100] =	vst v63  }
0x13d: {  	s7 =	simm.s32 $0xF900;
	v3 =	vadd.s32 v1, v3  }
0x13e: {  	[tilespmem:s7], [sflag:$0x4] =	stream.indirect_vreg.gather [hbm4b:s4+s2], $0x80, v4, vm0, $0xb8;
	[tilespmem:$0x18100] =	vst v63  }
0x13f: {  	s17 =	simm.s32 $0x10100  }
0x140: {  	[tilespmem:s17], [sflag:$0x4] =	stream.indirect_vreg.gather [hbm4b:s5+s2], $0x80, v4, vm0, $0xb8;
	[tilespmem:$0x18100] =	vst v63  }
0x141: {  	s18 =	simm.s32 $0x10900  }
0x142: {  	[tilespmem:s18], [sflag:$0x4] =	stream.indirect_vreg.gather [hbm4b:s3+s2], $0x80, v3, vm0, $0xb8;
	[tilespmem:$0x18100] =	vst v63  }
0x143: {  	s7 =	simm.s32 $0x11100  }
0x144: {  	[tilespmem:s7], [sflag:$0x4] =	stream.indirect_vreg.gather [hbm4b:s4+s2], $0x80, v3, vm0, $0xb8;
	[tilespmem:$0x18100] =	vst v63  }
0x145: {  	s17 =	simm.s32 $0x11900  }
0x146: {  	[tilespmem:s17], [sflag:$0x4] =	stream.indirect_vreg.gather [hbm4b:s5+s2], $0x80, v3, vm0, $0xb8;
	[tilespmem:$0x18100] =	vst v63  }
0x147: {  	v3 =	vld [tilespmem:$0xA0];
	_ =	sdelay $0x4  }
0x148: {  	v62 =	vshrl.u32 v3, $0x3  }
0x149: {  	v4 =	vmul.u32 $0x30, v62  }
0x14a: {  	v3 =	vand.u32 $0x7, v3  }
0x14b: {  	v3 =	vor.u32 v3, v4  }
0x14c: {  	v4 =	vperm.xlane v3, v0;
	_ =	sdelay $0x1  }
0x14d: {  	v4 =	vadd.s32 v1, v4;
	_ =	sdelay $0x3  }
0x14e: {  	s18 =	simm.s32 $0x12100;
	v3 =	vperm.xlane v3, v2  }
0x14f: {  	[tilespmem:s18], [sflag:$0x4] =	stream.indirect_vreg.gather [hbm4b:s3+s2], $0x80, v4, vm0, $0xb8;
	[tilespmem:$0x18100] =	vst v63  }
0x150: {  	s7 =	simm.s32 $0x12900;
	v3 =	vadd.s32 v1, v3  }
0x151: {  	[tilespmem:s7], [sflag:$0x4] =	stream.indirect_vreg.gather [hbm4b:s4+s2], $0x80, v4, vm0, $0xb8;
	[tilespmem:$0x18100] =	vst v63  }
0x152: {  	s17 =	simm.s32 $0x13100  }
0x153: {  	[tilespmem:s17], [sflag:$0x4] =	stream.indirect_vreg.gather [hbm4b:s5+s2], $0x80, v4, vm0, $0xb8;
	[tilespmem:$0x18100] =	vst v63  }
0x154: {  	s18 =	simm.s32 $0x13900  }
0x155: {  	[tilespmem:s18], [sflag:$0x4] =	stream.indirect_vreg.gather [hbm4b:s3+s2], $0x80, v3, vm0, $0xb8;
	[tilespmem:$0x18100] =	vst v63  }
0x156: {  	s7 =	simm.s32 $0x14100  }
0x157: {  	[tilespmem:s7], [sflag:$0x4] =	stream.indirect_vreg.gather [hbm4b:s4+s2], $0x80, v3, vm0, $0xb8;
	[tilespmem:$0x18100] =	vst v63  }
0x158: {  	s17 =	simm.s32 $0x14900  }
0x159: {  	[tilespmem:s17], [sflag:$0x4] =	stream.indirect_vreg.gather [hbm4b:s5+s2], $0x80, v3, vm0, $0xb8;
	[tilespmem:$0x18100] =	vst v63  }
0x15a: {  	v3 =	vld [tilespmem:$0xB0];
	_ =	sdelay $0x4  }
0x15b: {  	v63 =	vshrl.u32 v3, $0x3  }
0x15c: {  	v4 =	vmul.u32 $0x30, v63  }
0x15d: {  	v3 =	vand.u32 $0x7, v3  }
0x15e: {  	v3 =	vor.u32 v3, v4  }
0x15f: {  	v4 =	vperm.xlane v3, v0;
	_ =	sdelay $0x1  }
0x160: {  	v4 =	vadd.s32 v1, v4;
	_ =	sdelay $0x3  }
0x161: {  	s18 =	simm.s32 $0x15100;
	v3 =	vperm.xlane v3, v2  }
0x162: {  	[tilespmem:s18], [sflag:$0x4] =	stream.indirect_vreg.gather [hbm4b:s3+s2], $0x80, v4, vm0, $0xb8;
	[tilespmem:$0x18100] =	vst v63  }
0x163: {  	s7 =	simm.s32 $0x15900;
	v3 =	vadd.s32 v1, v3  }
0x164: {  	[tilespmem:s7], [sflag:$0x4] =	stream.indirect_vreg.gather [hbm4b:s4+s2], $0x80, v4, vm0, $0xb8;
	[tilespmem:$0x18100] =	vst v63  }
0x165: {  	s17 =	simm.s32 $0x16100  }
0x166: {  	[tilespmem:s17], [sflag:$0x4] =	stream.indirect_vreg.gather [hbm4b:s5+s2], $0x80, v4, vm0, $0xb8;
	[tilespmem:$0x18100] =	vst v63  }
0x167: {  	s18 =	simm.s32 $0x16900  }
0x168: {  	[tilespmem:s18], [sflag:$0x4] =	stream.indirect_vreg.gather [hbm4b:s3+s2], $0x80, v3, vm0, $0xb8;
	[tilespmem:$0x18100] =	vst v63  }
0x169: {  	s7 =	simm.s32 $0x17100  }
0x16a: {  	[tilespmem:s7], [sflag:$0x4] =	stream.indirect_vreg.gather [hbm4b:s4+s2], $0x80, v3, vm0, $0xb8;
	[tilespmem:$0x18100] =	vst v63  }
0x16b: {  	s17 =	simm.s32 $0x17900  }
0x16c: {  	[tilespmem:s17], [sflag:$0x4] =	stream.indirect_vreg.gather [hbm4b:s5+s2], $0x80, v3, vm0, $0xb8;
	[tilespmem:$0x18100] =	vst v63  }
0x16d: {  	_ =	swait.ge [sflag:s14], $0xC000  }
0x16e: {  	[sflag:s14] =	ssyncset.done $0x0  }
0x16f: {  	s18 =	rddreg [dreg:$0xa];
	[sflag:s14] =	ssyncadd.s32 $0xFFFF4000  }
0x170: {  	[hbm4b:s18+s2] =	stream.linear.scatter [tilespmem:s8], [sflag:$0x6], $0xC000, $0x38;
	[tilespmem:$0x18100] =	vst v63  }
0x171: {  	p0 =	sne.s32 s6, $0x1;
	_ =	swait.ge [sflag:s15], $0xC000  }
.Ltmp0:
0x172: {  	[sflag:s15] =	ssyncset.done $0x0;
	(pc) =	sbr.rel @p0 .LBB2_1-.Ltmp0, $4  }
0x173: {  	[sflag:s15] =	ssyncadd.s32 $0xFFFF4000  }
0x174: {  	_ =	swait.ge [sflag:s16], $0xC000  }
0x175: {  	[sflag:s16] =	ssyncset.done $0x0  }
0x176: {  	s6 =	sadd.s32 $0xFFFFFFFF, s6;
	[sflag:s16] =	ssyncadd.s32 $0xFFFF4000  }
0x177: {  	_ =	sfence.sel $0x180000  }
0x178: {  	[bflag:$0x0] =	sbarrier.arrive $0xFFFF  }
0x179: {  	_ =	strace $0x9000004A  }
0x17a: {  	s0 =	stileid.u32;
	[bflag:$0x2] =	sbarrier.arrive $0xFFFF  }
0x17b: {  	p0 =	sne.s32 s0, $0x0;
	s0 =	rddreg [dreg:$0x2]  }
0x17c: {  	s0 =	sadd.s32 @!p0 $0x100000, s0  }
0x17d: {  	[sflag:s0] =	ssyncadd.tile.s32 @!p0 $0x1;
	_ =	shalt  }
.Lfunc_end2:
_tile_overlayer_lowered:
.L_overlay_start_2:
0x17e: {  	(tag) =	ssettag $0x2  }
0x17f: {  	s0 =	rddreg [dreg:$0x0];
	s2 =	stileid.u32  }
0x180: {  	s1 =	rddreg [dreg:$0x1];
	p0 =	sne.s32 s2, $0x0  }
0x181: {  	s3 =	rddreg [dreg:$0x2];
	[bflag:$0x3] =	sbarrier.arrive $0xFFFF;
	s2 =	simm.s32 @!p0 $0x1C07  }
0x182: {  	[timem:s3], [sflag:s2] =	dma.local @!p0 [hbm:s0], s1  }
0x183: {  	s0 =	simm.s32 @!p0 $0x7  }
0x184: {  	_ =	swait.ge @!p0 [sflag:s0], s1  }
0x185: {  	s1 =	ssub.s32 @!p0 $0x0, s1;
	[sflag:s0] =	ssyncset.done @!p0 $0x0  }
0x186: {  	[sflag:s0] =	ssyncadd.s32 @!p0 s1  }
0x187: {  	[bflag:$0x3] =	sbarrier.arrive $0xFFFF  }
0x188: {  	_ =	shalt  }

</sc_bundles>
